<compile_context>
chip_gen: v7x
topology: tpu7x:2x2x1
jax: 0.10.2.dev20260603
libtpu: 0.0.44.dev20260713+nightly
codegen_flags: <defaults>
</compile_context>

<pallas_src>
import functools

import jax
import jax.numpy as jnp
from jax import lax
from jax.experimental import pallas as pl
from jax.experimental.pallas import tpu as pltpu
from jax.experimental.pallas import tpu_sc as plsc

ROWS = 128
COLS = 32768
SC_ROWS = 32
TC_ROWS = ROWS - SC_ROWS
LANES = 16
NUM_WORKERS = 32
STREAMS = 8
SPAN = STREAMS * LANES
N_CHUNKS = 4
CHUNK = COLS // N_CHUNKS
CHUNK_STEPS = CHUNK // SPAN
INT_MAX = 2**31 - 1

TC_BLOCK = 8192
TC_STEPS = COLS // TC_BLOCK
SUB = 128
SUBS_PER_BLOCK = TC_BLOCK // SUB



@functools.partial(
    pl.kernel,
    out_type=jax.ShapeDtypeStruct((NUM_WORKERS, LANES), jnp.int32),
    mesh=plsc.VectorSubcoreMesh(core_axis_name="c", subcore_axis_name="s"),
    scratch_types=[
        pltpu.VMEM((COLS,), jnp.float32),
        pltpu.VMEM((LANES,), jnp.int32),
        pltpu.SemaphoreType.DMA,
    ],
)
def _argmax_sc(data_hbm, out_hbm, buf, res_ref, sem):
    cid = lax.axis_index("c")
    sid = lax.axis_index("s")
    wid = cid * 16 + sid
    row = TC_ROWS + wid
    lane = lax.iota(jnp.int32, LANES)

    handles = [
        pltpu.async_copy(
            data_hbm.at[row, pl.ds(k * CHUNK, CHUNK)],
            buf.at[pl.ds(k * CHUNK, CHUNK)],
            sem,
        )
        for k in range(N_CHUNKS)
    ]

    neg_inf = jnp.full((LANES,), -jnp.inf, jnp.float32)
    zeros = jnp.zeros((LANES,), jnp.int32)
    carry = tuple([neg_inf] * STREAMS + [zeros] * STREAMS)

    def make_step(chunk_base_step):
        def step(t, carry):
            vals = carry[:STREAMS]
            steps = carry[STREAMS:]
            tt = chunk_base_step + t
            base = tt * SPAN
            new_vals, new_steps = [], []
            for s in range(STREAMS):
                v = buf[pl.ds(base + s * LANES, LANES)]
                c = v > vals[s]
                new_steps.append(jnp.where(c, tt, steps[s]))
                new_vals.append(jnp.maximum(vals[s], v))
            return tuple(new_vals + new_steps)
        return step

    for k in range(N_CHUNKS):
        handles[k].wait()
        carry = lax.fori_loop(0, CHUNK_STEPS, make_step(k * CHUNK_STEPS), carry)

    vals = carry[:STREAMS]
    steps = carry[STREAMS:]
    pairs = [
        (vals[s], steps[s] * SPAN + (s * LANES) + lane) for s in range(STREAMS)
    ]

    def merge(a, b):
        va, ia = a
        vb, ib = b
        take_b = (vb > va) | ((vb == va) & (ib < ia))
        return (jnp.where(take_b, vb, va), jnp.where(take_b, ib, ia))

    while len(pairs) > 1:
        pairs = [merge(pairs[i], pairs[i + 1]) for i in range(0, len(pairs), 2)]
    v, idx = pairs[0]

    for k in (8, 4, 2, 1):
        perm = lane ^ k
        vb = v.at[perm].get(mode="promise_in_bounds")
        ib = idx.at[perm].get(mode="promise_in_bounds")
        v, idx = merge((v, idx), (vb, ib))

    res_ref[...] = idx
    pltpu.sync_copy(res_ref, out_hbm.at[wid])



TC_BR = 32
TC_RBLKS = TC_ROWS // TC_BR


def _tc_body(x_ref, o_ref, vmax_ref, vcid_ref):
    step = pl.program_id(0)

    @pl.when(step == 0)
    def _():
        vmax_ref[...] = jnp.full((TC_ROWS, SUB), -jnp.inf, jnp.float32)
        vcid_ref[...] = jnp.zeros((TC_ROWS, SUB), jnp.int32)

    acc = vmax_ref[...]
    cid = vcid_ref[...]
    for k in range(SUBS_PER_BLOCK):
        xk = x_ref[:, k * SUB:(k + 1) * SUB]
        ck = step * SUBS_PER_BLOCK + k
        better = xk > acc
        cid = jnp.where(better, ck, cid)
        acc = jnp.where(better, xk, acc)
    vmax_ref[...] = acc
    vcid_ref[...] = cid

    @pl.when(step == TC_STEPS - 1)
    def _():
        rowmax = jnp.max(acc, axis=1, keepdims=True)
        gidx = cid * SUB + lax.broadcasted_iota(jnp.int32, (TC_ROWS, SUB), 1)
        cand = jnp.where(acc == rowmax, gidx, INT_MAX)
        o_ref[...] = jnp.min(cand, axis=1, keepdims=True)


_argmax_tc = pl.pallas_call(
    _tc_body,
    grid=(TC_STEPS,),
    in_specs=[
        pl.BlockSpec((TC_ROWS, TC_BLOCK), lambda i: (0, i)),
    ],
    out_specs=pl.BlockSpec((TC_ROWS, 1), lambda i: (0, 0)),
    out_shape=jax.ShapeDtypeStruct((TC_ROWS, 1), jnp.int32),
    scratch_shapes=[
        pltpu.VMEM((TC_ROWS, SUB), jnp.float32),
        pltpu.VMEM((TC_ROWS, SUB), jnp.int32),
    ],
)


def kernel(data):
    sc2 = _argmax_sc(data)
    tc2 = _argmax_tc(data)
    return jnp.concatenate([tc2, sc2[:, :1]], axis=0)[:, 0]

# --- scband reference (transcript-rebuilt; emitter-appended) ---
"""Pipeline reference for scband-argmax-36215164240139 (READ-ONLY COPY).

The authoritative reference and input builder live on the scoring server;
editing this copy changes nothing except your own understanding.
"""

import jax, jax.numpy as jnp
import numpy as np


def setup_inputs(seed: int = 0) -> dict:
    key = jax.random.key(seed)
    data = jax.random.normal(key, (128, 32768), dtype=jnp.float32)
    return {"data": data}


def reference(data):
    # Faithful translation of torch.argmax(data, dim=-1)
    return jnp.argmax(data, axis=-1)

if __name__ == "__main__":
    import jax
    _d = setup_inputs()
    print(jax.jit(kernel)(*tuple(_d.values())))

</pallas_src>

<mosaic_0001>
#map = affine_map<(d0, d1) -> (0, 0)>
module attributes {stable_mosaic.version = 14 : i64} {
  func.func @_argmax_sc(%arg0: i32, %arg1: i32, %arg2: memref<128x32768xf32, #tpu.memory_space<hbm>>, %arg3: memref<32x16xi32, #tpu.memory_space<hbm>>, %arg4: memref<32768xf32, #tpu.memory_space<vmem>>, %arg5: memref<16xi32, #tpu.memory_space<vmem>>, %arg6: memref<!tpu.dma_semaphore, #tpu.memory_space<semaphore_mem>>) attributes {dimension_semantics = [#tpu.dimension_semantics<core_parallel>, #tpu.dimension_semantics<subcore_parallel>], iteration_bounds = array<i64: 2, 16>, scalar_prefetch = 0 : i64, scratch_operands = 3 : i64, tpu.core_type = #tpu.core_type<sc_vector_subcore>, window_params = [{transform_indices = #map}, {transform_indices = #map}]} {
    %mul3A = arith.constant 16 : i32
    %mul3A_0 = arith.muli %arg0, %mul3A : i32
    %add3A = arith.addi %mul3A_0, %arg1 : i32
    %add3A_1 = arith.constant 96 : i32
    %add3A_2 = arith.addi %add3A_1, %add3A : i32
    %iota3A = tpu.iota {dimensions = array<i32: 0>} : vector<16xi32>
    %dma_start3A = arith.constant 0 : i32
    %dma_start3A_3 = tpu.memref_slice %arg4[%dma_start3A] : memref<32768xf32, #tpu.memory_space<vmem>> -> memref<8192xf32, #tpu.memory_space<vmem>>
    %dma_start3A_4 = arith.constant 0 : i32
    %dma_start3A_5 = tpu.memref_slice %arg2[%add3A_2, %dma_start3A_4] : memref<128x32768xf32, #tpu.memory_space<hbm>> -> memref<1x8192xf32, #tpu.memory_space<hbm>>
    %dma_start3A_6 = tpu.memref_squeeze %dma_start3A_5 : memref<1x8192xf32, #tpu.memory_space<hbm>> -> memref<8192xf32, #tpu.memory_space<hbm>>
    %dma_start3A_7 = arith.constant 0 : i32
    %dma_start3A_8 = tpu.memref_slice %arg4[%dma_start3A_7] : memref<32768xf32, #tpu.memory_space<vmem>> -> memref<8192xf32, #tpu.memory_space<vmem>>
    %dma_start3A_9 = arith.constant 0 : i32
    %dma_start3A_10 = tpu.memref_slice %arg2[%add3A_2, %dma_start3A_9] : memref<128x32768xf32, #tpu.memory_space<hbm>> -> memref<1x8192xf32, #tpu.memory_space<hbm>>
    %dma_start3A_11 = tpu.memref_squeeze %dma_start3A_10 : memref<1x8192xf32, #tpu.memory_space<hbm>> -> memref<8192xf32, #tpu.memory_space<hbm>>
    tpu.enqueue_dma source(%dma_start3A_11 : memref<8192xf32, #tpu.memory_space<hbm>>) target(%dma_start3A_8 : memref<8192xf32, #tpu.memory_space<vmem>>) target_semaphore(%arg6 : memref<!tpu.dma_semaphore, #tpu.memory_space<semaphore_mem>>)
    %dma_start3A_12 = arith.constant 8192 : i32
    %dma_start3A_13 = tpu.memref_slice %arg4[%dma_start3A_12] : memref<32768xf32, #tpu.memory_space<vmem>> -> memref<8192xf32, #tpu.memory_space<vmem>>
    %dma_start3A_14 = arith.constant 8192 : i32
    %dma_start3A_15 = tpu.memref_slice %arg2[%add3A_2, %dma_start3A_14] : memref<128x32768xf32, #tpu.memory_space<hbm>> -> memref<1x8192xf32, #tpu.memory_space<hbm>>
    %dma_start3A_16 = tpu.memref_squeeze %dma_start3A_15 : memref<1x8192xf32, #tpu.memory_space<hbm>> -> memref<8192xf32, #tpu.memory_space<hbm>>
    %dma_start3A_17 = arith.constant 8192 : i32
    %dma_start3A_18 = tpu.memref_slice %arg4[%dma_start3A_17] : memref<32768xf32, #tpu.memory_space<vmem>> -> memref<8192xf32, #tpu.memory_space<vmem>>
    %dma_start3A_19 = arith.constant 8192 : i32
    %dma_start3A_20 = tpu.memref_slice %arg2[%add3A_2, %dma_start3A_19] : memref<128x32768xf32, #tpu.memory_space<hbm>> -> memref<1x8192xf32, #tpu.memory_space<hbm>>
    %dma_start3A_21 = tpu.memref_squeeze %dma_start3A_20 : memref<1x8192xf32, #tpu.memory_space<hbm>> -> memref<8192xf32, #tpu.memory_space<hbm>>
    tpu.enqueue_dma source(%dma_start3A_21 : memref<8192xf32, #tpu.memory_space<hbm>>) target(%dma_start3A_18 : memref<8192xf32, #tpu.memory_space<vmem>>) target_semaphore(%arg6 : memref<!tpu.dma_semaphore, #tpu.memory_space<semaphore_mem>>)
    %dma_start3A_22 = arith.constant 16384 : i32
    %dma_start3A_23 = tpu.memref_slice %arg4[%dma_start3A_22] : memref<32768xf32, #tpu.memory_space<vmem>> -> memref<8192xf32, #tpu.memory_space<vmem>>
    %dma_start3A_24 = arith.constant 16384 : i32
    %dma_start3A_25 = tpu.memref_slice %arg2[%add3A_2, %dma_start3A_24] : memref<128x32768xf32, #tpu.memory_space<hbm>> -> memref<1x8192xf32, #tpu.memory_space<hbm>>
    %dma_start3A_26 = tpu.memref_squeeze %dma_start3A_25 : memref<1x8192xf32, #tpu.memory_space<hbm>> -> memref<8192xf32, #tpu.memory_space<hbm>>
    %dma_start3A_27 = arith.constant 16384 : i32
    %dma_start3A_28 = tpu.memref_slice %arg4[%dma_start3A_27] : memref<32768xf32, #tpu.memory_space<vmem>> -> memref<8192xf32, #tpu.memory_space<vmem>>
    %dma_start3A_29 = arith.constant 16384 : i32
    %dma_start3A_30 = tpu.memref_slice %arg2[%add3A_2, %dma_start3A_29] : memref<128x32768xf32, #tpu.memory_space<hbm>> -> memref<1x8192xf32, #tpu.memory_space<hbm>>
    %dma_start3A_31 = tpu.memref_squeeze %dma_start3A_30 : memref<1x8192xf32, #tpu.memory_space<hbm>> -> memref<8192xf32, #tpu.memory_space<hbm>>
    tpu.enqueue_dma source(%dma_start3A_31 : memref<8192xf32, #tpu.memory_space<hbm>>) target(%dma_start3A_28 : memref<8192xf32, #tpu.memory_space<vmem>>) target_semaphore(%arg6 : memref<!tpu.dma_semaphore, #tpu.memory_space<semaphore_mem>>)
    %dma_start3A_32 = arith.constant 24576 : i32
    %dma_start3A_33 = tpu.memref_slice %arg4[%dma_start3A_32] : memref<32768xf32, #tpu.memory_space<vmem>> -> memref<8192xf32, #tpu.memory_space<vmem>>
    %dma_start3A_34 = arith.constant 24576 : i32
    %dma_start3A_35 = tpu.memref_slice %arg2[%add3A_2, %dma_start3A_34] : memref<128x32768xf32, #tpu.memory_space<hbm>> -> memref<1x8192xf32, #tpu.memory_space<hbm>>
    %dma_start3A_36 = tpu.memref_squeeze %dma_start3A_35 : memref<1x8192xf32, #tpu.memory_space<hbm>> -> memref<8192xf32, #tpu.memory_space<hbm>>
    %dma_start3A_37 = arith.constant 24576 : i32
    %dma_start3A_38 = tpu.memref_slice %arg4[%dma_start3A_37] : memref<32768xf32, #tpu.memory_space<vmem>> -> memref<8192xf32, #tpu.memory_space<vmem>>
    %dma_start3A_39 = arith.constant 24576 : i32
    %dma_start3A_40 = tpu.memref_slice %arg2[%add3A_2, %dma_start3A_39] : memref<128x32768xf32, #tpu.memory_space<hbm>> -> memref<1x8192xf32, #tpu.memory_space<hbm>>
    %dma_start3A_41 = tpu.memref_squeeze %dma_start3A_40 : memref<1x8192xf32, #tpu.memory_space<hbm>> -> memref<8192xf32, #tpu.memory_space<hbm>>
    tpu.enqueue_dma source(%dma_start3A_41 : memref<8192xf32, #tpu.memory_space<hbm>>) target(%dma_start3A_38 : memref<8192xf32, #tpu.memory_space<vmem>>) target_semaphore(%arg6 : memref<!tpu.dma_semaphore, #tpu.memory_space<semaphore_mem>>)
    %broadcast_in_dim3A = arith.constant 0xFF800000 : f32
    %broadcast_in_dim3A_42 = vector.broadcast %broadcast_in_dim3A : f32 to vector<16xf32>
    %broadcast_in_dim3A_43 = arith.constant 0 : i32
    %broadcast_in_dim3A_44 = vector.broadcast %broadcast_in_dim3A_43 : i32 to vector<16xi32>
    %dma_wait3A = arith.constant 0 : i32
    %dma_wait3A_45 = tpu.memref_slice %arg4[%dma_wait3A] : memref<32768xf32, #tpu.memory_space<vmem>> -> memref<8192xf32, #tpu.memory_space<vmem>>
    %dma_wait3A_46 = arith.constant 0 : i32
    %dma_wait3A_47 = tpu.memref_slice %arg2[%add3A_2, %dma_wait3A_46] : memref<128x32768xf32, #tpu.memory_space<hbm>> -> memref<1x8192xf32, #tpu.memory_space<hbm>>
    %dma_wait3A_48 = tpu.memref_squeeze %dma_wait3A_47 : memref<1x8192xf32, #tpu.memory_space<hbm>> -> memref<8192xf32, #tpu.memory_space<hbm>>
    %dma_wait3A_49 = arith.constant 0 : i32
    %dma_wait3A_50 = tpu.memref_slice %arg4[%dma_wait3A_49] : memref<32768xf32, #tpu.memory_space<vmem>> -> memref<8192xf32, #tpu.memory_space<vmem>>
    %dma_wait3A_51 = arith.constant 0 : i32
    %dma_wait3A_52 = tpu.memref_slice %arg2[%add3A_2, %dma_wait3A_51] : memref<128x32768xf32, #tpu.memory_space<hbm>> -> memref<1x8192xf32, #tpu.memory_space<hbm>>
    %dma_wait3A_53 = tpu.memref_squeeze %dma_wait3A_52 : memref<1x8192xf32, #tpu.memory_space<hbm>> -> memref<8192xf32, #tpu.memory_space<hbm>>
    tpu.wait_dma2 semaphore(%arg6 : memref<!tpu.dma_semaphore, #tpu.memory_space<semaphore_mem>>) src(%dma_wait3A_53 : memref<8192xf32, #tpu.memory_space<hbm>>) dst(%dma_wait3A_50 : memref<8192xf32, #tpu.memory_space<vmem>>)
    %scan3A = arith.constant 0 : i32
    %scan3A_54 = arith.constant 64 : i32
    %scan3A_55 = arith.addi %scan3A, %scan3A_54 : i32
    %scan3A_56 = arith.constant 1 : i32
    %scan3A_57:16 = scf.for %scan3A_327 = %scan3A to %scan3A_55 step %scan3A_56 iter_args(%scan3A_328 = %broadcast_in_dim3A_42, %scan3A_329 = %broadcast_in_dim3A_42, %scan3A_330 = %broadcast_in_dim3A_42, %scan3A_331 = %broadcast_in_dim3A_42, %scan3A_332 = %broadcast_in_dim3A_42, %scan3A_333 = %broadcast_in_dim3A_42, %scan3A_334 = %broadcast_in_dim3A_42, %scan3A_335 = %broadcast_in_dim3A_42, %scan3A_336 = %broadcast_in_dim3A_44, %scan3A_337 = %broadcast_in_dim3A_44, %scan3A_338 = %broadcast_in_dim3A_44, %scan3A_339 = %broadcast_in_dim3A_44, %scan3A_340 = %broadcast_in_dim3A_44, %scan3A_341 = %broadcast_in_dim3A_44, %scan3A_342 = %broadcast_in_dim3A_44, %scan3A_343 = %broadcast_in_dim3A_44) -> (vector<16xf32>, vector<16xf32>, vector<16xf32>, vector<16xf32>, vector<16xf32>, vector<16xf32>, vector<16xf32>, vector<16xf32>, vector<16xi32>, vector<16xi32>, vector<16xi32>, vector<16xi32>, vector<16xi32>, vector<16xi32>, vector<16xi32>, vector<16xi32>)  : i32 {
      %add3A_344 = arith.constant 0 : i32
      %add3A_345 = arith.addi %add3A_344, %scan3A_327 : i32
      %mul3A_346 = arith.constant 128 : i32
      %mul3A_347 = arith.muli %add3A_345, %mul3A_346 : i32
      %add3A_348 = arith.constant 0 : i32
      %add3A_349 = arith.addi %mul3A_347, %add3A_348 : i32
      %get3A = arith.index_cast %add3A_349 : i32 to index
      %get3A_350 = tpu.vector_load %arg4[%get3A] {strides = array<i32>} : memref<32768xf32, #tpu.memory_space<vmem>>, vector<16xf32>,
      %get3A_351 = vector.shape_cast %get3A_350 : vector<16xf32> to vector<16xf32>
      %gt3A_352 = arith.cmpf ogt, %get3A_351, %scan3A_328 : vector<16xf32>
      %broadcast_in_dim3A_353 = vector.broadcast %add3A_345 : i32 to vector<16xi32>
      %select_n3A_354 = arith.select %gt3A_352, %broadcast_in_dim3A_353, %scan3A_336 : vector<16xi1>, vector<16xi32>
      %max3A = arith.maximumf %scan3A_328, %get3A_351 : vector<16xf32>
      %add3A_355 = arith.constant 16 : i32
      %add3A_356 = arith.addi %mul3A_347, %add3A_355 : i32
      %get3A_357 = arith.index_cast %add3A_356 : i32 to index
      %get3A_358 = tpu.vector_load %arg4[%get3A_357] {strides = array<i32>} : memref<32768xf32, #tpu.memory_space<vmem>>, vector<16xf32>,
      %get3A_359 = vector.shape_cast %get3A_358 : vector<16xf32> to vector<16xf32>
      %gt3A_360 = arith.cmpf ogt, %get3A_359, %scan3A_329 : vector<16xf32>
      %broadcast_in_dim3A_361 = vector.broadcast %add3A_345 : i32 to vector<16xi32>
      %select_n3A_362 = arith.select %gt3A_360, %broadcast_in_dim3A_361, %scan3A_337 : vector<16xi1>, vector<16xi32>
      %max3A_363 = arith.maximumf %scan3A_329, %get3A_359 : vector<16xf32>
      %add3A_364 = arith.constant 32 : i32
      %add3A_365 = arith.addi %mul3A_347, %add3A_364 : i32
      %get3A_366 = arith.index_cast %add3A_365 : i32 to index
      %get3A_367 = tpu.vector_load %arg4[%get3A_366] {strides = array<i32>} : memref<32768xf32, #tpu.memory_space<vmem>>, vector<16xf32>,
      %get3A_368 = vector.shape_cast %get3A_367 : vector<16xf32> to vector<16xf32>
      %gt3A_369 = arith.cmpf ogt, %get3A_368, %scan3A_330 : vector<16xf32>
      %broadcast_in_dim3A_370 = vector.broadcast %add3A_345 : i32 to vector<16xi32>
      %select_n3A_371 = arith.select %gt3A_369, %broadcast_in_dim3A_370, %scan3A_338 : vector<16xi1>, vector<16xi32>
      %max3A_372 = arith.maximumf %scan3A_330, %get3A_368 : vector<16xf32>
      %add3A_373 = arith.constant 48 : i32
      %add3A_374 = arith.addi %mul3A_347, %add3A_373 : i32
      %get3A_375 = arith.index_cast %add3A_374 : i32 to index
      %get3A_376 = tpu.vector_load %arg4[%get3A_375] {strides = array<i32>} : memref<32768xf32, #tpu.memory_space<vmem>>, vector<16xf32>,
      %get3A_377 = vector.shape_cast %get3A_376 : vector<16xf32> to vector<16xf32>
      %gt3A_378 = arith.cmpf ogt, %get3A_377, %scan3A_331 : vector<16xf32>
      %broadcast_in_dim3A_379 = vector.broadcast %add3A_345 : i32 to vector<16xi32>
      %select_n3A_380 = arith.select %gt3A_378, %broadcast_in_dim3A_379, %scan3A_339 : vector<16xi1>, vector<16xi32>
      %max3A_381 = arith.maximumf %scan3A_331, %get3A_377 : vector<16xf32>
      %add3A_382 = arith.constant 64 : i32
      %add3A_383 = arith.addi %mul3A_347, %add3A_382 : i32
      %get3A_384 = arith.index_cast %add3A_383 : i32 to index
      %get3A_385 = tpu.vector_load %arg4[%get3A_384] {strides = array<i32>} : memref<32768xf32, #tpu.memory_space<vmem>>, vector<16xf32>,
      %get3A_386 = vector.shape_cast %get3A_385 : vector<16xf32> to vector<16xf32>
      %gt3A_387 = arith.cmpf ogt, %get3A_386, %scan3A_332 : vector<16xf32>
      %broadcast_in_dim3A_388 = vector.broadcast %add3A_345 : i32 to vector<16xi32>
      %select_n3A_389 = arith.select %gt3A_387, %broadcast_in_dim3A_388, %scan3A_340 : vector<16xi1>, vector<16xi32>
      %max3A_390 = arith.maximumf %scan3A_332, %get3A_386 : vector<16xf32>
      %add3A_391 = arith.constant 80 : i32
      %add3A_392 = arith.addi %mul3A_347, %add3A_391 : i32
      %get3A_393 = arith.index_cast %add3A_392 : i32 to index
      %get3A_394 = tpu.vector_load %arg4[%get3A_393] {strides = array<i32>} : memref<32768xf32, #tpu.memory_space<vmem>>, vector<16xf32>,
      %get3A_395 = vector.shape_cast %get3A_394 : vector<16xf32> to vector<16xf32>
      %gt3A_396 = arith.cmpf ogt, %get3A_395, %scan3A_333 : vector<16xf32>
      %broadcast_in_dim3A_397 = vector.broadcast %add3A_345 : i32 to vector<16xi32>
      %select_n3A_398 = arith.select %gt3A_396, %broadcast_in_dim3A_397, %scan3A_341 : vector<16xi1>, vector<16xi32>
      %max3A_399 = arith.maximumf %scan3A_333, %get3A_395 : vector<16xf32>
      %add3A_400 = arith.constant 96 : i32
      %add3A_401 = arith.addi %mul3A_347, %add3A_400 : i32
      %get3A_402 = arith.index_cast %add3A_401 : i32 to index
      %get3A_403 = tpu.vector_load %arg4[%get3A_402] {strides = array<i32>} : memref<32768xf32, #tpu.memory_space<vmem>>, vector<16xf32>,
      %get3A_404 = vector.shape_cast %get3A_403 : vector<16xf32> to vector<16xf32>
      %gt3A_405 = arith.cmpf ogt, %get3A_404, %scan3A_334 : vector<16xf32>
      %broadcast_in_dim3A_406 = vector.broadcast %add3A_345 : i32 to vector<16xi32>
      %select_n3A_407 = arith.select %gt3A_405, %broadcast_in_dim3A_406, %scan3A_342 : vector<16xi1>, vector<16xi32>
      %max3A_408 = arith.maximumf %scan3A_334, %get3A_404 : vector<16xf32>
      %add3A_409 = arith.constant 112 : i32
      %add3A_410 = arith.addi %mul3A_347, %add3A_409 : i32
      %get3A_411 = arith.index_cast %add3A_410 : i32 to index
      %get3A_412 = tpu.vector_load %arg4[%get3A_411] {strides = array<i32>} : memref<32768xf32, #tpu.memory_space<vmem>>, vector<16xf32>,
      %get3A_413 = vector.shape_cast %get3A_412 : vector<16xf32> to vector<16xf32>
      %gt3A_414 = arith.cmpf ogt, %get3A_413, %scan3A_335 : vector<16xf32>
      %broadcast_in_dim3A_415 = vector.broadcast %add3A_345 : i32 to vector<16xi32>
      %select_n3A_416 = arith.select %gt3A_414, %broadcast_in_dim3A_415, %scan3A_343 : vector<16xi1>, vector<16xi32>
      %max3A_417 = arith.maximumf %scan3A_335, %get3A_413 : vector<16xf32>
      scf.yield %max3A, %max3A_363, %max3A_372, %max3A_381, %max3A_390, %max3A_399, %max3A_408, %max3A_417, %select_n3A_354, %select_n3A_362, %select_n3A_371, %select_n3A_380, %select_n3A_389, %select_n3A_398, %select_n3A_407, %select_n3A_416 : vector<16xf32>, vector<16xf32>, vector<16xf32>, vector<16xf32>, vector<16xf32>, vector<16xf32>, vector<16xf32>, vector<16xf32>, vector<16xi32>, vector<16xi32>, vector<16xi32>, vector<16xi32>, vector<16xi32>, vector<16xi32>, vector<16xi32>, vector<16xi32>
    }
    %scan3A_58 = arith.constant 64 : i32
    %dma_wait3A_59 = arith.constant 8192 : i32
    %dma_wait3A_60 = tpu.memref_slice %arg4[%dma_wait3A_59] : memref<32768xf32, #tpu.memory_space<vmem>> -> memref<8192xf32, #tpu.memory_space<vmem>>
    %dma_wait3A_61 = arith.constant 8192 : i32
    %dma_wait3A_62 = tpu.memref_slice %arg2[%add3A_2, %dma_wait3A_61] : memref<128x32768xf32, #tpu.memory_space<hbm>> -> memref<1x8192xf32, #tpu.memory_space<hbm>>
    %dma_wait3A_63 = tpu.memref_squeeze %dma_wait3A_62 : memref<1x8192xf32, #tpu.memory_space<hbm>> -> memref<8192xf32, #tpu.memory_space<hbm>>
    %dma_wait3A_64 = arith.constant 8192 : i32
    %dma_wait3A_65 = tpu.memref_slice %arg4[%dma_wait3A_64] : memref<32768xf32, #tpu.memory_space<vmem>> -> memref<8192xf32, #tpu.memory_space<vmem>>
    %dma_wait3A_66 = arith.constant 8192 : i32
    %dma_wait3A_67 = tpu.memref_slice %arg2[%add3A_2, %dma_wait3A_66] : memref<128x32768xf32, #tpu.memory_space<hbm>> -> memref<1x8192xf32, #tpu.memory_space<hbm>>
    %dma_wait3A_68 = tpu.memref_squeeze %dma_wait3A_67 : memref<1x8192xf32, #tpu.memory_space<hbm>> -> memref<8192xf32, #tpu.memory_space<hbm>>
    tpu.wait_dma2 semaphore(%arg6 : memref<!tpu.dma_semaphore, #tpu.memory_space<semaphore_mem>>) src(%dma_wait3A_68 : memref<8192xf32, #tpu.memory_space<hbm>>) dst(%dma_wait3A_65 : memref<8192xf32, #tpu.memory_space<vmem>>)
    %scan3A_69 = arith.constant 0 : i32
    %scan3A_70 = arith.constant 64 : i32
    %scan3A_71 = arith.addi %scan3A_69, %scan3A_70 : i32
    %scan3A_72 = arith.constant 1 : i32
    %scan3A_73:16 = scf.for %scan3A_327 = %scan3A_69 to %scan3A_71 step %scan3A_72 iter_args(%scan3A_328 = %scan3A_57#0, %scan3A_329 = %scan3A_57#1, %scan3A_330 = %scan3A_57#2, %scan3A_331 = %scan3A_57#3, %scan3A_332 = %scan3A_57#4, %scan3A_333 = %scan3A_57#5, %scan3A_334 = %scan3A_57#6, %scan3A_335 = %scan3A_57#7, %scan3A_336 = %scan3A_57#8, %scan3A_337 = %scan3A_57#9, %scan3A_338 = %scan3A_57#10, %scan3A_339 = %scan3A_57#11, %scan3A_340 = %scan3A_57#12, %scan3A_341 = %scan3A_57#13, %scan3A_342 = %scan3A_57#14, %scan3A_343 = %scan3A_57#15) -> (vector<16xf32>, vector<16xf32>, vector<16xf32>, vector<16xf32>, vector<16xf32>, vector<16xf32>, vector<16xf32>, vector<16xf32>, vector<16xi32>, vector<16xi32>, vector<16xi32>, vector<16xi32>, vector<16xi32>, vector<16xi32>, vector<16xi32>, vector<16xi32>)  : i32 {
      %add3A_344 = arith.constant 64 : i32
      %add3A_345 = arith.addi %add3A_344, %scan3A_327 : i32
      %mul3A_346 = arith.constant 128 : i32
      %mul3A_347 = arith.muli %add3A_345, %mul3A_346 : i32
      %add3A_348 = arith.constant 0 : i32
      %add3A_349 = arith.addi %mul3A_347, %add3A_348 : i32
      %get3A = arith.index_cast %add3A_349 : i32 to index
      %get3A_350 = tpu.vector_load %arg4[%get3A] {strides = array<i32>} : memref<32768xf32, #tpu.memory_space<vmem>>, vector<16xf32>,
      %get3A_351 = vector.shape_cast %get3A_350 : vector<16xf32> to vector<16xf32>
      %gt3A_352 = arith.cmpf ogt, %get3A_351, %scan3A_328 : vector<16xf32>
      %broadcast_in_dim3A_353 = vector.broadcast %add3A_345 : i32 to vector<16xi32>
      %select_n3A_354 = arith.select %gt3A_352, %broadcast_in_dim3A_353, %scan3A_336 : vector<16xi1>, vector<16xi32>
      %max3A = arith.maximumf %scan3A_328, %get3A_351 : vector<16xf32>
      %add3A_355 = arith.constant 16 : i32
      %add3A_356 = arith.addi %mul3A_347, %add3A_355 : i32
      %get3A_357 = arith.index_cast %add3A_356 : i32 to index
      %get3A_358 = tpu.vector_load %arg4[%get3A_357] {strides = array<i32>} : memref<32768xf32, #tpu.memory_space<vmem>>, vector<16xf32>,
      %get3A_359 = vector.shape_cast %get3A_358 : vector<16xf32> to vector<16xf32>
      %gt3A_360 = arith.cmpf ogt, %get3A_359, %scan3A_329 : vector<16xf32>
      %broadcast_in_dim3A_361 = vector.broadcast %add3A_345 : i32 to vector<16xi32>
      %select_n3A_362 = arith.select %gt3A_360, %broadcast_in_dim3A_361, %scan3A_337 : vector<16xi1>, vector<16xi32>
      %max3A_363 = arith.maximumf %scan3A_329, %get3A_359 : vector<16xf32>
      %add3A_364 = arith.constant 32 : i32
      %add3A_365 = arith.addi %mul3A_347, %add3A_364 : i32
      %get3A_366 = arith.index_cast %add3A_365 : i32 to index
      %get3A_367 = tpu.vector_load %arg4[%get3A_366] {strides = array<i32>} : memref<32768xf32, #tpu.memory_space<vmem>>, vector<16xf32>,
      %get3A_368 = vector.shape_cast %get3A_367 : vector<16xf32> to vector<16xf32>
      %gt3A_369 = arith.cmpf ogt, %get3A_368, %scan3A_330 : vector<16xf32>
      %broadcast_in_dim3A_370 = vector.broadcast %add3A_345 : i32 to vector<16xi32>
      %select_n3A_371 = arith.select %gt3A_369, %broadcast_in_dim3A_370, %scan3A_338 : vector<16xi1>, vector<16xi32>
      %max3A_372 = arith.maximumf %scan3A_330, %get3A_368 : vector<16xf32>
      %add3A_373 = arith.constant 48 : i32
      %add3A_374 = arith.addi %mul3A_347, %add3A_373 : i32
      %get3A_375 = arith.index_cast %add3A_374 : i32 to index
      %get3A_376 = tpu.vector_load %arg4[%get3A_375] {strides = array<i32>} : memref<32768xf32, #tpu.memory_space<vmem>>, vector<16xf32>,
      %get3A_377 = vector.shape_cast %get3A_376 : vector<16xf32> to vector<16xf32>
      %gt3A_378 = arith.cmpf ogt, %get3A_377, %scan3A_331 : vector<16xf32>
      %broadcast_in_dim3A_379 = vector.broadcast %add3A_345 : i32 to vector<16xi32>
      %select_n3A_380 = arith.select %gt3A_378, %broadcast_in_dim3A_379, %scan3A_339 : vector<16xi1>, vector<16xi32>
      %max3A_381 = arith.maximumf %scan3A_331, %get3A_377 : vector<16xf32>
      %add3A_382 = arith.constant 64 : i32
      %add3A_383 = arith.addi %mul3A_347, %add3A_382 : i32
      %get3A_384 = arith.index_cast %add3A_383 : i32 to index
      %get3A_385 = tpu.vector_load %arg4[%get3A_384] {strides = array<i32>} : memref<32768xf32, #tpu.memory_space<vmem>>, vector<16xf32>,
      %get3A_386 = vector.shape_cast %get3A_385 : vector<16xf32> to vector<16xf32>
      %gt3A_387 = arith.cmpf ogt, %get3A_386, %scan3A_332 : vector<16xf32>
      %broadcast_in_dim3A_388 = vector.broadcast %add3A_345 : i32 to vector<16xi32>
      %select_n3A_389 = arith.select %gt3A_387, %broadcast_in_dim3A_388, %scan3A_340 : vector<16xi1>, vector<16xi32>
      %max3A_390 = arith.maximumf %scan3A_332, %get3A_386 : vector<16xf32>
      %add3A_391 = arith.constant 80 : i32
      %add3A_392 = arith.addi %mul3A_347, %add3A_391 : i32
      %get3A_393 = arith.index_cast %add3A_392 : i32 to index
      %get3A_394 = tpu.vector_load %arg4[%get3A_393] {strides = array<i32>} : memref<32768xf32, #tpu.memory_space<vmem>>, vector<16xf32>,
      %get3A_395 = vector.shape_cast %get3A_394 : vector<16xf32> to vector<16xf32>
      %gt3A_396 = arith.cmpf ogt, %get3A_395, %scan3A_333 : vector<16xf32>
      %broadcast_in_dim3A_397 = vector.broadcast %add3A_345 : i32 to vector<16xi32>
      %select_n3A_398 = arith.select %gt3A_396, %broadcast_in_dim3A_397, %scan3A_341 : vector<16xi1>, vector<16xi32>
      %max3A_399 = arith.maximumf %scan3A_333, %get3A_395 : vector<16xf32>
      %add3A_400 = arith.constant 96 : i32
      %add3A_401 = arith.addi %mul3A_347, %add3A_400 : i32
      %get3A_402 = arith.index_cast %add3A_401 : i32 to index
      %get3A_403 = tpu.vector_load %arg4[%get3A_402] {strides = array<i32>} : memref<32768xf32, #tpu.memory_space<vmem>>, vector<16xf32>,
      %get3A_404 = vector.shape_cast %get3A_403 : vector<16xf32> to vector<16xf32>
      %gt3A_405 = arith.cmpf ogt, %get3A_404, %scan3A_334 : vector<16xf32>
      %broadcast_in_dim3A_406 = vector.broadcast %add3A_345 : i32 to vector<16xi32>
      %select_n3A_407 = arith.select %gt3A_405, %broadcast_in_dim3A_406, %scan3A_342 : vector<16xi1>, vector<16xi32>
      %max3A_408 = arith.maximumf %scan3A_334, %get3A_404 : vector<16xf32>
      %add3A_409 = arith.constant 112 : i32
      %add3A_410 = arith.addi %mul3A_347, %add3A_409 : i32
      %get3A_411 = arith.index_cast %add3A_410 : i32 to index
      %get3A_412 = tpu.vector_load %arg4[%get3A_411] {strides = array<i32>} : memref<32768xf32, #tpu.memory_space<vmem>>, vector<16xf32>,
      %get3A_413 = vector.shape_cast %get3A_412 : vector<16xf32> to vector<16xf32>
      %gt3A_414 = arith.cmpf ogt, %get3A_413, %scan3A_335 : vector<16xf32>
      %broadcast_in_dim3A_415 = vector.broadcast %add3A_345 : i32 to vector<16xi32>
      %select_n3A_416 = arith.select %gt3A_414, %broadcast_in_dim3A_415, %scan3A_343 : vector<16xi1>, vector<16xi32>
      %max3A_417 = arith.maximumf %scan3A_335, %get3A_413 : vector<16xf32>
      scf.yield %max3A, %max3A_363, %max3A_372, %max3A_381, %max3A_390, %max3A_399, %max3A_408, %max3A_417, %select_n3A_354, %select_n3A_362, %select_n3A_371, %select_n3A_380, %select_n3A_389, %select_n3A_398, %select_n3A_407, %select_n3A_416 : vector<16xf32>, vector<16xf32>, vector<16xf32>, vector<16xf32>, vector<16xf32>, vector<16xf32>, vector<16xf32>, vector<16xf32>, vector<16xi32>, vector<16xi32>, vector<16xi32>, vector<16xi32>, vector<16xi32>, vector<16xi32>, vector<16xi32>, vector<16xi32>
    }
    %scan3A_74 = arith.constant 64 : i32
    %dma_wait3A_75 = arith.constant 16384 : i32
    %dma_wait3A_76 = tpu.memref_slice %arg4[%dma_wait3A_75] : memref<32768xf32, #tpu.memory_space<vmem>> -> memref<8192xf32, #tpu.memory_space<vmem>>
    %dma_wait3A_77 = arith.constant 16384 : i32
    %dma_wait3A_78 = tpu.memref_slice %arg2[%add3A_2, %dma_wait3A_77] : memref<128x32768xf32, #tpu.memory_space<hbm>> -> memref<1x8192xf32, #tpu.memory_space<hbm>>
    %dma_wait3A_79 = tpu.memref_squeeze %dma_wait3A_78 : memref<1x8192xf32, #tpu.memory_space<hbm>> -> memref<8192xf32, #tpu.memory_space<hbm>>
    %dma_wait3A_80 = arith.constant 16384 : i32
    %dma_wait3A_81 = tpu.memref_slice %arg4[%dma_wait3A_80] : memref<32768xf32, #tpu.memory_space<vmem>> -> memref<8192xf32, #tpu.memory_space<vmem>>
    %dma_wait3A_82 = arith.constant 16384 : i32
    %dma_wait3A_83 = tpu.memref_slice %arg2[%add3A_2, %dma_wait3A_82] : memref<128x32768xf32, #tpu.memory_space<hbm>> -> memref<1x8192xf32, #tpu.memory_space<hbm>>
    %dma_wait3A_84 = tpu.memref_squeeze %dma_wait3A_83 : memref<1x8192xf32, #tpu.memory_space<hbm>> -> memref<8192xf32, #tpu.memory_space<hbm>>
    tpu.wait_dma2 semaphore(%arg6 : memref<!tpu.dma_semaphore, #tpu.memory_space<semaphore_mem>>) src(%dma_wait3A_84 : memref<8192xf32, #tpu.memory_space<hbm>>) dst(%dma_wait3A_81 : memref<8192xf32, #tpu.memory_space<vmem>>)
    %scan3A_85 = arith.constant 0 : i32
    %scan3A_86 = arith.constant 64 : i32
    %scan3A_87 = arith.addi %scan3A_85, %scan3A_86 : i32
    %scan3A_88 = arith.constant 1 : i32
    %scan3A_89:16 = scf.for %scan3A_327 = %scan3A_85 to %scan3A_87 step %scan3A_88 iter_args(%scan3A_328 = %scan3A_73#0, %scan3A_329 = %scan3A_73#1, %scan3A_330 = %scan3A_73#2, %scan3A_331 = %scan3A_73#3, %scan3A_332 = %scan3A_73#4, %scan3A_333 = %scan3A_73#5, %scan3A_334 = %scan3A_73#6, %scan3A_335 = %scan3A_73#7, %scan3A_336 = %scan3A_73#8, %scan3A_337 = %scan3A_73#9, %scan3A_338 = %scan3A_73#10, %scan3A_339 = %scan3A_73#11, %scan3A_340 = %scan3A_73#12, %scan3A_341 = %scan3A_73#13, %scan3A_342 = %scan3A_73#14, %scan3A_343 = %scan3A_73#15) -> (vector<16xf32>, vector<16xf32>, vector<16xf32>, vector<16xf32>, vector<16xf32>, vector<16xf32>, vector<16xf32>, vector<16xf32>, vector<16xi32>, vector<16xi32>, vector<16xi32>, vector<16xi32>, vector<16xi32>, vector<16xi32>, vector<16xi32>, vector<16xi32>)  : i32 {
      %add3A_344 = arith.constant 128 : i32
      %add3A_345 = arith.addi %add3A_344, %scan3A_327 : i32
      %mul3A_346 = arith.constant 128 : i32
      %mul3A_347 = arith.muli %add3A_345, %mul3A_346 : i32
      %add3A_348 = arith.constant 0 : i32
      %add3A_349 = arith.addi %mul3A_347, %add3A_348 : i32
      %get3A = arith.index_cast %add3A_349 : i32 to index
      %get3A_350 = tpu.vector_load %arg4[%get3A] {strides = array<i32>} : memref<32768xf32, #tpu.memory_space<vmem>>, vector<16xf32>,
      %get3A_351 = vector.shape_cast %get3A_350 : vector<16xf32> to vector<16xf32>
      %gt3A_352 = arith.cmpf ogt, %get3A_351, %scan3A_328 : vector<16xf32>
      %broadcast_in_dim3A_353 = vector.broadcast %add3A_345 : i32 to vector<16xi32>
      %select_n3A_354 = arith.select %gt3A_352, %broadcast_in_dim3A_353, %scan3A_336 : vector<16xi1>, vector<16xi32>
      %max3A = arith.maximumf %scan3A_328, %get3A_351 : vector<16xf32>
      %add3A_355 = arith.constant 16 : i32
      %add3A_356 = arith.addi %mul3A_347, %add3A_355 : i32
      %get3A_357 = arith.index_cast %add3A_356 : i32 to index
      %get3A_358 = tpu.vector_load %arg4[%get3A_357] {strides = array<i32>} : memref<32768xf32, #tpu.memory_space<vmem>>, vector<16xf32>,
      %get3A_359 = vector.shape_cast %get3A_358 : vector<16xf32> to vector<16xf32>
      %gt3A_360 = arith.cmpf ogt, %get3A_359, %scan3A_329 : vector<16xf32>
      %broadcast_in_dim3A_361 = vector.broadcast %add3A_345 : i32 to vector<16xi32>
      %select_n3A_362 = arith.select %gt3A_360, %broadcast_in_dim3A_361, %scan3A_337 : vector<16xi1>, vector<16xi32>
      %max3A_363 = arith.maximumf %scan3A_329, %get3A_359 : vector<16xf32>
      %add3A_364 = arith.constant 32 : i32
      %add3A_365 = arith.addi %mul3A_347, %add3A_364 : i32
      %get3A_366 = arith.index_cast %add3A_365 : i32 to index
      %get3A_367 = tpu.vector_load %arg4[%get3A_366] {strides = array<i32>} : memref<32768xf32, #tpu.memory_space<vmem>>, vector<16xf32>,
      %get3A_368 = vector.shape_cast %get3A_367 : vector<16xf32> to vector<16xf32>
      %gt3A_369 = arith.cmpf ogt, %get3A_368, %scan3A_330 : vector<16xf32>
      %broadcast_in_dim3A_370 = vector.broadcast %add3A_345 : i32 to vector<16xi32>
      %select_n3A_371 = arith.select %gt3A_369, %broadcast_in_dim3A_370, %scan3A_338 : vector<16xi1>, vector<16xi32>
      %max3A_372 = arith.maximumf %scan3A_330, %get3A_368 : vector<16xf32>
      %add3A_373 = arith.constant 48 : i32
      %add3A_374 = arith.addi %mul3A_347, %add3A_373 : i32
      %get3A_375 = arith.index_cast %add3A_374 : i32 to index
      %get3A_376 = tpu.vector_load %arg4[%get3A_375] {strides = array<i32>} : memref<32768xf32, #tpu.memory_space<vmem>>, vector<16xf32>,
      %get3A_377 = vector.shape_cast %get3A_376 : vector<16xf32> to vector<16xf32>
      %gt3A_378 = arith.cmpf ogt, %get3A_377, %scan3A_331 : vector<16xf32>
      %broadcast_in_dim3A_379 = vector.broadcast %add3A_345 : i32 to vector<16xi32>
      %select_n3A_380 = arith.select %gt3A_378, %broadcast_in_dim3A_379, %scan3A_339 : vector<16xi1>, vector<16xi32>
      %max3A_381 = arith.maximumf %scan3A_331, %get3A_377 : vector<16xf32>
      %add3A_382 = arith.constant 64 : i32
      %add3A_383 = arith.addi %mul3A_347, %add3A_382 : i32
      %get3A_384 = arith.index_cast %add3A_383 : i32 to index
      %get3A_385 = tpu.vector_load %arg4[%get3A_384] {strides = array<i32>} : memref<32768xf32, #tpu.memory_space<vmem>>, vector<16xf32>,
      %get3A_386 = vector.shape_cast %get3A_385 : vector<16xf32> to vector<16xf32>
      %gt3A_387 = arith.cmpf ogt, %get3A_386, %scan3A_332 : vector<16xf32>
      %broadcast_in_dim3A_388 = vector.broadcast %add3A_345 : i32 to vector<16xi32>
      %select_n3A_389 = arith.select %gt3A_387, %broadcast_in_dim3A_388, %scan3A_340 : vector<16xi1>, vector<16xi32>
      %max3A_390 = arith.maximumf %scan3A_332, %get3A_386 : vector<16xf32>
      %add3A_391 = arith.constant 80 : i32
      %add3A_392 = arith.addi %mul3A_347, %add3A_391 : i32
      %get3A_393 = arith.index_cast %add3A_392 : i32 to index
      %get3A_394 = tpu.vector_load %arg4[%get3A_393] {strides = array<i32>} : memref<32768xf32, #tpu.memory_space<vmem>>, vector<16xf32>,
      %get3A_395 = vector.shape_cast %get3A_394 : vector<16xf32> to vector<16xf32>
      %gt3A_396 = arith.cmpf ogt, %get3A_395, %scan3A_333 : vector<16xf32>
      %broadcast_in_dim3A_397 = vector.broadcast %add3A_345 : i32 to vector<16xi32>
      %select_n3A_398 = arith.select %gt3A_396, %broadcast_in_dim3A_397, %scan3A_341 : vector<16xi1>, vector<16xi32>
      %max3A_399 = arith.maximumf %scan3A_333, %get3A_395 : vector<16xf32>
      %add3A_400 = arith.constant 96 : i32
      %add3A_401 = arith.addi %mul3A_347, %add3A_400 : i32
      %get3A_402 = arith.index_cast %add3A_401 : i32 to index
      %get3A_403 = tpu.vector_load %arg4[%get3A_402] {strides = array<i32>} : memref<32768xf32, #tpu.memory_space<vmem>>, vector<16xf32>,
      %get3A_404 = vector.shape_cast %get3A_403 : vector<16xf32> to vector<16xf32>
      %gt3A_405 = arith.cmpf ogt, %get3A_404, %scan3A_334 : vector<16xf32>
      %broadcast_in_dim3A_406 = vector.broadcast %add3A_345 : i32 to vector<16xi32>
      %select_n3A_407 = arith.select %gt3A_405, %broadcast_in_dim3A_406, %scan3A_342 : vector<16xi1>, vector<16xi32>
      %max3A_408 = arith.maximumf %scan3A_334, %get3A_404 : vector<16xf32>
      %add3A_409 = arith.constant 112 : i32
      %add3A_410 = arith.addi %mul3A_347, %add3A_409 : i32
      %get3A_411 = arith.index_cast %add3A_410 : i32 to index
      %get3A_412 = tpu.vector_load %arg4[%get3A_411] {strides = array<i32>} : memref<32768xf32, #tpu.memory_space<vmem>>, vector<16xf32>,
      %get3A_413 = vector.shape_cast %get3A_412 : vector<16xf32> to vector<16xf32>
      %gt3A_414 = arith.cmpf ogt, %get3A_413, %scan3A_335 : vector<16xf32>
      %broadcast_in_dim3A_415 = vector.broadcast %add3A_345 : i32 to vector<16xi32>
      %select_n3A_416 = arith.select %gt3A_414, %broadcast_in_dim3A_415, %scan3A_343 : vector<16xi1>, vector<16xi32>
      %max3A_417 = arith.maximumf %scan3A_335, %get3A_413 : vector<16xf32>
      scf.yield %max3A, %max3A_363, %max3A_372, %max3A_381, %max3A_390, %max3A_399, %max3A_408, %max3A_417, %select_n3A_354, %select_n3A_362, %select_n3A_371, %select_n3A_380, %select_n3A_389, %select_n3A_398, %select_n3A_407, %select_n3A_416 : vector<16xf32>, vector<16xf32>, vector<16xf32>, vector<16xf32>, vector<16xf32>, vector<16xf32>, vector<16xf32>, vector<16xf32>, vector<16xi32>, vector<16xi32>, vector<16xi32>, vector<16xi32>, vector<16xi32>, vector<16xi32>, vector<16xi32>, vector<16xi32>
    }
    %scan3A_90 = arith.constant 64 : i32
    %dma_wait3A_91 = arith.constant 24576 : i32
    %dma_wait3A_92 = tpu.memref_slice %arg4[%dma_wait3A_91] : memref<32768xf32, #tpu.memory_space<vmem>> -> memref<8192xf32, #tpu.memory_space<vmem>>
    %dma_wait3A_93 = arith.constant 24576 : i32
    %dma_wait3A_94 = tpu.memref_slice %arg2[%add3A_2, %dma_wait3A_93] : memref<128x32768xf32, #tpu.memory_space<hbm>> -> memref<1x8192xf32, #tpu.memory_space<hbm>>
    %dma_wait3A_95 = tpu.memref_squeeze %dma_wait3A_94 : memref<1x8192xf32, #tpu.memory_space<hbm>> -> memref<8192xf32, #tpu.memory_space<hbm>>
    %dma_wait3A_96 = arith.constant 24576 : i32
    %dma_wait3A_97 = tpu.memref_slice %arg4[%dma_wait3A_96] : memref<32768xf32, #tpu.memory_space<vmem>> -> memref<8192xf32, #tpu.memory_space<vmem>>
    %dma_wait3A_98 = arith.constant 24576 : i32
    %dma_wait3A_99 = tpu.memref_slice %arg2[%add3A_2, %dma_wait3A_98] : memref<128x32768xf32, #tpu.memory_space<hbm>> -> memref<1x8192xf32, #tpu.memory_space<hbm>>
    %dma_wait3A_100 = tpu.memref_squeeze %dma_wait3A_99 : memref<1x8192xf32, #tpu.memory_space<hbm>> -> memref<8192xf32, #tpu.memory_space<hbm>>
    tpu.wait_dma2 semaphore(%arg6 : memref<!tpu.dma_semaphore, #tpu.memory_space<semaphore_mem>>) src(%dma_wait3A_100 : memref<8192xf32, #tpu.memory_space<hbm>>) dst(%dma_wait3A_97 : memref<8192xf32, #tpu.memory_space<vmem>>)
    %scan3A_101 = arith.constant 0 : i32
    %scan3A_102 = arith.constant 64 : i32
    %scan3A_103 = arith.addi %scan3A_101, %scan3A_102 : i32
    %scan3A_104 = arith.constant 1 : i32
    %scan3A_105:16 = scf.for %scan3A_327 = %scan3A_101 to %scan3A_103 step %scan3A_104 iter_args(%scan3A_328 = %scan3A_89#0, %scan3A_329 = %scan3A_89#1, %scan3A_330 = %scan3A_89#2, %scan3A_331 = %scan3A_89#3, %scan3A_332 = %scan3A_89#4, %scan3A_333 = %scan3A_89#5, %scan3A_334 = %scan3A_89#6, %scan3A_335 = %scan3A_89#7, %scan3A_336 = %scan3A_89#8, %scan3A_337 = %scan3A_89#9, %scan3A_338 = %scan3A_89#10, %scan3A_339 = %scan3A_89#11, %scan3A_340 = %scan3A_89#12, %scan3A_341 = %scan3A_89#13, %scan3A_342 = %scan3A_89#14, %scan3A_343 = %scan3A_89#15) -> (vector<16xf32>, vector<16xf32>, vector<16xf32>, vector<16xf32>, vector<16xf32>, vector<16xf32>, vector<16xf32>, vector<16xf32>, vector<16xi32>, vector<16xi32>, vector<16xi32>, vector<16xi32>, vector<16xi32>, vector<16xi32>, vector<16xi32>, vector<16xi32>)  : i32 {
      %add3A_344 = arith.constant 192 : i32
      %add3A_345 = arith.addi %add3A_344, %scan3A_327 : i32
      %mul3A_346 = arith.constant 128 : i32
      %mul3A_347 = arith.muli %add3A_345, %mul3A_346 : i32
      %add3A_348 = arith.constant 0 : i32
      %add3A_349 = arith.addi %mul3A_347, %add3A_348 : i32
      %get3A = arith.index_cast %add3A_349 : i32 to index
      %get3A_350 = tpu.vector_load %arg4[%get3A] {strides = array<i32>} : memref<32768xf32, #tpu.memory_space<vmem>>, vector<16xf32>,
      %get3A_351 = vector.shape_cast %get3A_350 : vector<16xf32> to vector<16xf32>
      %gt3A_352 = arith.cmpf ogt, %get3A_351, %scan3A_328 : vector<16xf32>
      %broadcast_in_dim3A_353 = vector.broadcast %add3A_345 : i32 to vector<16xi32>
      %select_n3A_354 = arith.select %gt3A_352, %broadcast_in_dim3A_353, %scan3A_336 : vector<16xi1>, vector<16xi32>
      %max3A = arith.maximumf %scan3A_328, %get3A_351 : vector<16xf32>
      %add3A_355 = arith.constant 16 : i32
      %add3A_356 = arith.addi %mul3A_347, %add3A_355 : i32
      %get3A_357 = arith.index_cast %add3A_356 : i32 to index
      %get3A_358 = tpu.vector_load %arg4[%get3A_357] {strides = array<i32>} : memref<32768xf32, #tpu.memory_space<vmem>>, vector<16xf32>,
      %get3A_359 = vector.shape_cast %get3A_358 : vector<16xf32> to vector<16xf32>
      %gt3A_360 = arith.cmpf ogt, %get3A_359, %scan3A_329 : vector<16xf32>
      %broadcast_in_dim3A_361 = vector.broadcast %add3A_345 : i32 to vector<16xi32>
      %select_n3A_362 = arith.select %gt3A_360, %broadcast_in_dim3A_361, %scan3A_337 : vector<16xi1>, vector<16xi32>
      %max3A_363 = arith.maximumf %scan3A_329, %get3A_359 : vector<16xf32>
      %add3A_364 = arith.constant 32 : i32
      %add3A_365 = arith.addi %mul3A_347, %add3A_364 : i32
      %get3A_366 = arith.index_cast %add3A_365 : i32 to index
      %get3A_367 = tpu.vector_load %arg4[%get3A_366] {strides = array<i32>} : memref<32768xf32, #tpu.memory_space<vmem>>, vector<16xf32>,
      %get3A_368 = vector.shape_cast %get3A_367 : vector<16xf32> to vector<16xf32>
      %gt3A_369 = arith.cmpf ogt, %get3A_368, %scan3A_330 : vector<16xf32>
      %broadcast_in_dim3A_370 = vector.broadcast %add3A_345 : i32 to vector<16xi32>
      %select_n3A_371 = arith.select %gt3A_369, %broadcast_in_dim3A_370, %scan3A_338 : vector<16xi1>, vector<16xi32>
      %max3A_372 = arith.maximumf %scan3A_330, %get3A_368 : vector<16xf32>
      %add3A_373 = arith.constant 48 : i32
      %add3A_374 = arith.addi %mul3A_347, %add3A_373 : i32
      %get3A_375 = arith.index_cast %add3A_374 : i32 to index
      %get3A_376 = tpu.vector_load %arg4[%get3A_375] {strides = array<i32>} : memref<32768xf32, #tpu.memory_space<vmem>>, vector<16xf32>,
      %get3A_377 = vector.shape_cast %get3A_376 : vector<16xf32> to vector<16xf32>
      %gt3A_378 = arith.cmpf ogt, %get3A_377, %scan3A_331 : vector<16xf32>
      %broadcast_in_dim3A_379 = vector.broadcast %add3A_345 : i32 to vector<16xi32>
      %select_n3A_380 = arith.select %gt3A_378, %broadcast_in_dim3A_379, %scan3A_339 : vector<16xi1>, vector<16xi32>
      %max3A_381 = arith.maximumf %scan3A_331, %get3A_377 : vector<16xf32>
      %add3A_382 = arith.constant 64 : i32
      %add3A_383 = arith.addi %mul3A_347, %add3A_382 : i32
      %get3A_384 = arith.index_cast %add3A_383 : i32 to index
      %get3A_385 = tpu.vector_load %arg4[%get3A_384] {strides = array<i32>} : memref<32768xf32, #tpu.memory_space<vmem>>, vector<16xf32>,
      %get3A_386 = vector.shape_cast %get3A_385 : vector<16xf32> to vector<16xf32>
      %gt3A_387 = arith.cmpf ogt, %get3A_386, %scan3A_332 : vector<16xf32>
      %broadcast_in_dim3A_388 = vector.broadcast %add3A_345 : i32 to vector<16xi32>
      %select_n3A_389 = arith.select %gt3A_387, %broadcast_in_dim3A_388, %scan3A_340 : vector<16xi1>, vector<16xi32>
      %max3A_390 = arith.maximumf %scan3A_332, %get3A_386 : vector<16xf32>
      %add3A_391 = arith.constant 80 : i32
      %add3A_392 = arith.addi %mul3A_347, %add3A_391 : i32
      %get3A_393 = arith.index_cast %add3A_392 : i32 to index
      %get3A_394 = tpu.vector_load %arg4[%get3A_393] {strides = array<i32>} : memref<32768xf32, #tpu.memory_space<vmem>>, vector<16xf32>,
      %get3A_395 = vector.shape_cast %get3A_394 : vector<16xf32> to vector<16xf32>
      %gt3A_396 = arith.cmpf ogt, %get3A_395, %scan3A_333 : vector<16xf32>
      %broadcast_in_dim3A_397 = vector.broadcast %add3A_345 : i32 to vector<16xi32>
      %select_n3A_398 = arith.select %gt3A_396, %broadcast_in_dim3A_397, %scan3A_341 : vector<16xi1>, vector<16xi32>
      %max3A_399 = arith.maximumf %scan3A_333, %get3A_395 : vector<16xf32>
      %add3A_400 = arith.constant 96 : i32
      %add3A_401 = arith.addi %mul3A_347, %add3A_400 : i32
      %get3A_402 = arith.index_cast %add3A_401 : i32 to index
      %get3A_403 = tpu.vector_load %arg4[%get3A_402] {strides = array<i32>} : memref<32768xf32, #tpu.memory_space<vmem>>, vector<16xf32>,
      %get3A_404 = vector.shape_cast %get3A_403 : vector<16xf32> to vector<16xf32>
      %gt3A_405 = arith.cmpf ogt, %get3A_404, %scan3A_334 : vector<16xf32>
      %broadcast_in_dim3A_406 = vector.broadcast %add3A_345 : i32 to vector<16xi32>
      %select_n3A_407 = arith.select %gt3A_405, %broadcast_in_dim3A_406, %scan3A_342 : vector<16xi1>, vector<16xi32>
      %max3A_408 = arith.maximumf %scan3A_334, %get3A_404 : vector<16xf32>
      %add3A_409 = arith.constant 112 : i32
      %add3A_410 = arith.addi %mul3A_347, %add3A_409 : i32
      %get3A_411 = arith.index_cast %add3A_410 : i32 to index
      %get3A_412 = tpu.vector_load %arg4[%get3A_411] {strides = array<i32>} : memref<32768xf32, #tpu.memory_space<vmem>>, vector<16xf32>,
      %get3A_413 = vector.shape_cast %get3A_412 : vector<16xf32> to vector<16xf32>
      %gt3A_414 = arith.cmpf ogt, %get3A_413, %scan3A_335 : vector<16xf32>
      %broadcast_in_dim3A_415 = vector.broadcast %add3A_345 : i32 to vector<16xi32>
      %select_n3A_416 = arith.select %gt3A_414, %broadcast_in_dim3A_415, %scan3A_343 : vector<16xi1>, vector<16xi32>
      %max3A_417 = arith.maximumf %scan3A_335, %get3A_413 : vector<16xf32>
      scf.yield %max3A, %max3A_363, %max3A_372, %max3A_381, %max3A_390, %max3A_399, %max3A_408, %max3A_417, %select_n3A_354, %select_n3A_362, %select_n3A_371, %select_n3A_380, %select_n3A_389, %select_n3A_398, %select_n3A_407, %select_n3A_416 : vector<16xf32>, vector<16xf32>, vector<16xf32>, vector<16xf32>, vector<16xf32>, vector<16xf32>, vector<16xf32>, vector<16xf32>, vector<16xi32>, vector<16xi32>, vector<16xi32>, vector<16xi32>, vector<16xi32>, vector<16xi32>, vector<16xi32>, vector<16xi32>
    }
    %scan3A_106 = arith.constant 64 : i32
    %mul3A_107 = arith.constant 128 : i32
    %mul3A_108 = vector.broadcast %mul3A_107 : i32 to vector<16xi32>
    %mul3A_109 = arith.muli %scan3A_105#8, %mul3A_108 : vector<16xi32>
    %add3A_110 = arith.constant 0 : i32
    %add3A_111 = vector.broadcast %add3A_110 : i32 to vector<16xi32>
    %add3A_112 = arith.addi %mul3A_109, %add3A_111 : vector<16xi32>
    %add3A_113 = arith.addi %add3A_112, %iota3A : vector<16xi32>
    %mul3A_114 = arith.constant 128 : i32
    %mul3A_115 = vector.broadcast %mul3A_114 : i32 to vector<16xi32>
    %mul3A_116 = arith.muli %scan3A_105#9, %mul3A_115 : vector<16xi32>
    %add3A_117 = arith.constant 16 : i32
    %add3A_118 = vector.broadcast %add3A_117 : i32 to vector<16xi32>
    %add3A_119 = arith.addi %mul3A_116, %add3A_118 : vector<16xi32>
    %add3A_120 = arith.addi %add3A_119, %iota3A : vector<16xi32>
    %mul3A_121 = arith.constant 128 : i32
    %mul3A_122 = vector.broadcast %mul3A_121 : i32 to vector<16xi32>
    %mul3A_123 = arith.muli %scan3A_105#10, %mul3A_122 : vector<16xi32>
    %add3A_124 = arith.constant 32 : i32
    %add3A_125 = vector.broadcast %add3A_124 : i32 to vector<16xi32>
    %add3A_126 = arith.addi %mul3A_123, %add3A_125 : vector<16xi32>
    %add3A_127 = arith.addi %add3A_126, %iota3A : vector<16xi32>
    %mul3A_128 = arith.constant 128 : i32
    %mul3A_129 = vector.broadcast %mul3A_128 : i32 to vector<16xi32>
    %mul3A_130 = arith.muli %scan3A_105#11, %mul3A_129 : vector<16xi32>
    %add3A_131 = arith.constant 48 : i32
    %add3A_132 = vector.broadcast %add3A_131 : i32 to vector<16xi32>
    %add3A_133 = arith.addi %mul3A_130, %add3A_132 : vector<16xi32>
    %add3A_134 = arith.addi %add3A_133, %iota3A : vector<16xi32>
    %mul3A_135 = arith.constant 128 : i32
    %mul3A_136 = vector.broadcast %mul3A_135 : i32 to vector<16xi32>
    %mul3A_137 = arith.muli %scan3A_105#12, %mul3A_136 : vector<16xi32>
    %add3A_138 = arith.constant 64 : i32
    %add3A_139 = vector.broadcast %add3A_138 : i32 to vector<16xi32>
    %add3A_140 = arith.addi %mul3A_137, %add3A_139 : vector<16xi32>
    %add3A_141 = arith.addi %add3A_140, %iota3A : vector<16xi32>
    %mul3A_142 = arith.constant 128 : i32
    %mul3A_143 = vector.broadcast %mul3A_142 : i32 to vector<16xi32>
    %mul3A_144 = arith.muli %scan3A_105#13, %mul3A_143 : vector<16xi32>
    %add3A_145 = arith.constant 80 : i32
    %add3A_146 = vector.broadcast %add3A_145 : i32 to vector<16xi32>
    %add3A_147 = arith.addi %mul3A_144, %add3A_146 : vector<16xi32>
    %add3A_148 = arith.addi %add3A_147, %iota3A : vector<16xi32>
    %mul3A_149 = arith.constant 128 : i32
    %mul3A_150 = vector.broadcast %mul3A_149 : i32 to vector<16xi32>
    %mul3A_151 = arith.muli %scan3A_105#14, %mul3A_150 : vector<16xi32>
    %add3A_152 = arith.constant 96 : i32
    %add3A_153 = vector.broadcast %add3A_152 : i32 to vector<16xi32>
    %add3A_154 = arith.addi %mul3A_151, %add3A_153 : vector<16xi32>
    %add3A_155 = arith.addi %add3A_154, %iota3A : vector<16xi32>
    %mul3A_156 = arith.constant 128 : i32
    %mul3A_157 = vector.broadcast %mul3A_156 : i32 to vector<16xi32>
    %mul3A_158 = arith.muli %scan3A_105#15, %mul3A_157 : vector<16xi32>
    %add3A_159 = arith.constant 112 : i32
    %add3A_160 = vector.broadcast %add3A_159 : i32 to vector<16xi32>
    %add3A_161 = arith.addi %mul3A_158, %add3A_160 : vector<16xi32>
    %add3A_162 = arith.addi %add3A_161, %iota3A : vector<16xi32>
    %gt3A = arith.cmpf ogt, %scan3A_105#1, %scan3A_105#0 : vector<16xf32>
    %eq3A = arith.cmpf oeq, %scan3A_105#1, %scan3A_105#0 : vector<16xf32>
    %lt3A = arith.cmpi slt, %add3A_120, %add3A_113 : vector<16xi32>
    %and3A = arith.andi %eq3A, %lt3A : vector<16xi1>
    %or3A = arith.ori %gt3A, %and3A : vector<16xi1>
    %select_n3A = arith.select %or3A, %scan3A_105#1, %scan3A_105#0 : vector<16xi1>, vector<16xf32>
    %select_n3A_163 = arith.select %or3A, %add3A_120, %add3A_113 : vector<16xi1>, vector<16xi32>
    %gt3A_164 = arith.cmpf ogt, %scan3A_105#3, %scan3A_105#2 : vector<16xf32>
    %eq3A_165 = arith.cmpf oeq, %scan3A_105#3, %scan3A_105#2 : vector<16xf32>
    %lt3A_166 = arith.cmpi slt, %add3A_134, %add3A_127 : vector<16xi32>
    %and3A_167 = arith.andi %eq3A_165, %lt3A_166 : vector<16xi1>
    %or3A_168 = arith.ori %gt3A_164, %and3A_167 : vector<16xi1>
    %select_n3A_169 = arith.select %or3A_168, %scan3A_105#3, %scan3A_105#2 : vector<16xi1>, vector<16xf32>
    %select_n3A_170 = arith.select %or3A_168, %add3A_134, %add3A_127 : vector<16xi1>, vector<16xi32>
    %gt3A_171 = arith.cmpf ogt, %scan3A_105#5, %scan3A_105#4 : vector<16xf32>
    %eq3A_172 = arith.cmpf oeq, %scan3A_105#5, %scan3A_105#4 : vector<16xf32>
    %lt3A_173 = arith.cmpi slt, %add3A_148, %add3A_141 : vector<16xi32>
    %and3A_174 = arith.andi %eq3A_172, %lt3A_173 : vector<16xi1>
    %or3A_175 = arith.ori %gt3A_171, %and3A_174 : vector<16xi1>
    %select_n3A_176 = arith.select %or3A_175, %scan3A_105#5, %scan3A_105#4 : vector<16xi1>, vector<16xf32>
    %select_n3A_177 = arith.select %or3A_175, %add3A_148, %add3A_141 : vector<16xi1>, vector<16xi32>
    %gt3A_178 = arith.cmpf ogt, %scan3A_105#7, %scan3A_105#6 : vector<16xf32>
    %eq3A_179 = arith.cmpf oeq, %scan3A_105#7, %scan3A_105#6 : vector<16xf32>
    %lt3A_180 = arith.cmpi slt, %add3A_162, %add3A_155 : vector<16xi32>
    %and3A_181 = arith.andi %eq3A_179, %lt3A_180 : vector<16xi1>
    %or3A_182 = arith.ori %gt3A_178, %and3A_181 : vector<16xi1>
    %select_n3A_183 = arith.select %or3A_182, %scan3A_105#7, %scan3A_105#6 : vector<16xi1>, vector<16xf32>
    %select_n3A_184 = arith.select %or3A_182, %add3A_162, %add3A_155 : vector<16xi1>, vector<16xi32>
    %gt3A_185 = arith.cmpf ogt, %select_n3A_169, %select_n3A : vector<16xf32>
    %eq3A_186 = arith.cmpf oeq, %select_n3A_169, %select_n3A : vector<16xf32>
    %lt3A_187 = arith.cmpi slt, %select_n3A_170, %select_n3A_163 : vector<16xi32>
    %and3A_188 = arith.andi %eq3A_186, %lt3A_187 : vector<16xi1>
    %or3A_189 = arith.ori %gt3A_185, %and3A_188 : vector<16xi1>
    %select_n3A_190 = arith.select %or3A_189, %select_n3A_169, %select_n3A : vector<16xi1>, vector<16xf32>
    %select_n3A_191 = arith.select %or3A_189, %select_n3A_170, %select_n3A_163 : vector<16xi1>, vector<16xi32>
    %gt3A_192 = arith.cmpf ogt, %select_n3A_183, %select_n3A_176 : vector<16xf32>
    %eq3A_193 = arith.cmpf oeq, %select_n3A_183, %select_n3A_176 : vector<16xf32>
    %lt3A_194 = arith.cmpi slt, %select_n3A_184, %select_n3A_177 : vector<16xi32>
    %and3A_195 = arith.andi %eq3A_193, %lt3A_194 : vector<16xi1>
    %or3A_196 = arith.ori %gt3A_192, %and3A_195 : vector<16xi1>
    %select_n3A_197 = arith.select %or3A_196, %select_n3A_183, %select_n3A_176 : vector<16xi1>, vector<16xf32>
    %select_n3A_198 = arith.select %or3A_196, %select_n3A_184, %select_n3A_177 : vector<16xi1>, vector<16xi32>
    %gt3A_199 = arith.cmpf ogt, %select_n3A_197, %select_n3A_190 : vector<16xf32>
    %eq3A_200 = arith.cmpf oeq, %select_n3A_197, %select_n3A_190 : vector<16xf32>
    %lt3A_201 = arith.cmpi slt, %select_n3A_198, %select_n3A_191 : vector<16xi32>
    %and3A_202 = arith.andi %eq3A_200, %lt3A_201 : vector<16xi1>
    %or3A_203 = arith.ori %gt3A_199, %and3A_202 : vector<16xi1>
    %select_n3A_204 = arith.select %or3A_203, %select_n3A_197, %select_n3A_190 : vector<16xi1>, vector<16xf32>
    %select_n3A_205 = arith.select %or3A_203, %select_n3A_198, %select_n3A_191 : vector<16xi1>, vector<16xi32>
    %xor3A = arith.constant 8 : i32
    %xor3A_206 = vector.broadcast %xor3A : i32 to vector<16xi32>
    %xor3A_207 = arith.xori %iota3A, %xor3A_206 : vector<16xi32>
    %lt3A_208 = arith.constant 0 : i32
    %lt3A_209 = vector.broadcast %lt3A_208 : i32 to vector<16xi32>
    %lt3A_210 = arith.cmpi slt, %xor3A_207, %lt3A_209 : vector<16xi32>
    %add3A_211 = arith.constant 16 : i32
    %add3A_212 = vector.broadcast %add3A_211 : i32 to vector<16xi32>
    %add3A_213 = arith.addi %xor3A_207, %add3A_212 : vector<16xi32>
    %select_n3A_214 = arith.select %lt3A_210, %add3A_213, %xor3A_207 : vector<16xi1>, vector<16xi32>
    %broadcast_in_dim3A_215 = vector.shape_cast %select_n3A_214 : vector<16xi32> to vector<16x1xi32>
    %gather3A = vector.shape_cast %broadcast_in_dim3A_215 : vector<16x1xi32> to vector<16xi32>
    %gather3A_216 = tpu.dynamic_gather %select_n3A_204[%gather3A] in [0] : vector<16xf32>, vector<16xi32> -> vector<16xf32>
    %lt3A_217 = arith.constant 0 : i32
    %lt3A_218 = vector.broadcast %lt3A_217 : i32 to vector<16xi32>
    %lt3A_219 = arith.cmpi slt, %xor3A_207, %lt3A_218 : vector<16xi32>
    %add3A_220 = arith.constant 16 : i32
    %add3A_221 = vector.broadcast %add3A_220 : i32 to vector<16xi32>
    %add3A_222 = arith.addi %xor3A_207, %add3A_221 : vector<16xi32>
    %select_n3A_223 = arith.select %lt3A_219, %add3A_222, %xor3A_207 : vector<16xi1>, vector<16xi32>
    %broadcast_in_dim3A_224 = vector.shape_cast %select_n3A_223 : vector<16xi32> to vector<16x1xi32>
    %gather3A_225 = vector.shape_cast %broadcast_in_dim3A_224 : vector<16x1xi32> to vector<16xi32>
    %gather3A_226 = tpu.dynamic_gather %select_n3A_205[%gather3A_225] in [0] : vector<16xi32>, vector<16xi32> -> vector<16xi32>
    %gt3A_227 = arith.cmpf ogt, %gather3A_216, %select_n3A_204 : vector<16xf32>
    %eq3A_228 = arith.cmpf oeq, %gather3A_216, %select_n3A_204 : vector<16xf32>
    %lt3A_229 = arith.cmpi slt, %gather3A_226, %select_n3A_205 : vector<16xi32>
    %and3A_230 = arith.andi %eq3A_228, %lt3A_229 : vector<16xi1>
    %or3A_231 = arith.ori %gt3A_227, %and3A_230 : vector<16xi1>
    %select_n3A_232 = arith.select %or3A_231, %gather3A_216, %select_n3A_204 : vector<16xi1>, vector<16xf32>
    %select_n3A_233 = arith.select %or3A_231, %gather3A_226, %select_n3A_205 : vector<16xi1>, vector<16xi32>
    %xor3A_234 = arith.constant 4 : i32
    %xor3A_235 = vector.broadcast %xor3A_234 : i32 to vector<16xi32>
    %xor3A_236 = arith.xori %iota3A, %xor3A_235 : vector<16xi32>
    %lt3A_237 = arith.constant 0 : i32
    %lt3A_238 = vector.broadcast %lt3A_237 : i32 to vector<16xi32>
    %lt3A_239 = arith.cmpi slt, %xor3A_236, %lt3A_238 : vector<16xi32>
    %add3A_240 = arith.constant 16 : i32
    %add3A_241 = vector.broadcast %add3A_240 : i32 to vector<16xi32>
    %add3A_242 = arith.addi %xor3A_236, %add3A_241 : vector<16xi32>
    %select_n3A_243 = arith.select %lt3A_239, %add3A_242, %xor3A_236 : vector<16xi1>, vector<16xi32>
    %broadcast_in_dim3A_244 = vector.shape_cast %select_n3A_243 : vector<16xi32> to vector<16x1xi32>
    %gather3A_245 = vector.shape_cast %broadcast_in_dim3A_244 : vector<16x1xi32> to vector<16xi32>
    %gather3A_246 = tpu.dynamic_gather %select_n3A_232[%gather3A_245] in [0] : vector<16xf32>, vector<16xi32> -> vector<16xf32>
    %lt3A_247 = arith.constant 0 : i32
    %lt3A_248 = vector.broadcast %lt3A_247 : i32 to vector<16xi32>
    %lt3A_249 = arith.cmpi slt, %xor3A_236, %lt3A_248 : vector<16xi32>
    %add3A_250 = arith.constant 16 : i32
    %add3A_251 = vector.broadcast %add3A_250 : i32 to vector<16xi32>
    %add3A_252 = arith.addi %xor3A_236, %add3A_251 : vector<16xi32>
    %select_n3A_253 = arith.select %lt3A_249, %add3A_252, %xor3A_236 : vector<16xi1>, vector<16xi32>
    %broadcast_in_dim3A_254 = vector.shape_cast %select_n3A_253 : vector<16xi32> to vector<16x1xi32>
    %gather3A_255 = vector.shape_cast %broadcast_in_dim3A_254 : vector<16x1xi32> to vector<16xi32>
    %gather3A_256 = tpu.dynamic_gather %select_n3A_233[%gather3A_255] in [0] : vector<16xi32>, vector<16xi32> -> vector<16xi32>
    %gt3A_257 = arith.cmpf ogt, %gather3A_246, %select_n3A_232 : vector<16xf32>
    %eq3A_258 = arith.cmpf oeq, %gather3A_246, %select_n3A_232 : vector<16xf32>
    %lt3A_259 = arith.cmpi slt, %gather3A_256, %select_n3A_233 : vector<16xi32>
    %and3A_260 = arith.andi %eq3A_258, %lt3A_259 : vector<16xi1>
    %or3A_261 = arith.ori %gt3A_257, %and3A_260 : vector<16xi1>
    %select_n3A_262 = arith.select %or3A_261, %gather3A_246, %select_n3A_232 : vector<16xi1>, vector<16xf32>
    %select_n3A_263 = arith.select %or3A_261, %gather3A_256, %select_n3A_233 : vector<16xi1>, vector<16xi32>
    %xor3A_264 = arith.constant 2 : i32
    %xor3A_265 = vector.broadcast %xor3A_264 : i32 to vector<16xi32>
    %xor3A_266 = arith.xori %iota3A, %xor3A_265 : vector<16xi32>
    %lt3A_267 = arith.constant 0 : i32
    %lt3A_268 = vector.broadcast %lt3A_267 : i32 to vector<16xi32>
    %lt3A_269 = arith.cmpi slt, %xor3A_266, %lt3A_268 : vector<16xi32>
    %add3A_270 = arith.constant 16 : i32
    %add3A_271 = vector.broadcast %add3A_270 : i32 to vector<16xi32>
    %add3A_272 = arith.addi %xor3A_266, %add3A_271 : vector<16xi32>
    %select_n3A_273 = arith.select %lt3A_269, %add3A_272, %xor3A_266 : vector<16xi1>, vector<16xi32>
    %broadcast_in_dim3A_274 = vector.shape_cast %select_n3A_273 : vector<16xi32> to vector<16x1xi32>
    %gather3A_275 = vector.shape_cast %broadcast_in_dim3A_274 : vector<16x1xi32> to vector<16xi32>
    %gather3A_276 = tpu.dynamic_gather %select_n3A_262[%gather3A_275] in [0] : vector<16xf32>, vector<16xi32> -> vector<16xf32>
    %lt3A_277 = arith.constant 0 : i32
    %lt3A_278 = vector.broadcast %lt3A_277 : i32 to vector<16xi32>
    %lt3A_279 = arith.cmpi slt, %xor3A_266, %lt3A_278 : vector<16xi32>
    %add3A_280 = arith.constant 16 : i32
    %add3A_281 = vector.broadcast %add3A_280 : i32 to vector<16xi32>
    %add3A_282 = arith.addi %xor3A_266, %add3A_281 : vector<16xi32>
    %select_n3A_283 = arith.select %lt3A_279, %add3A_282, %xor3A_266 : vector<16xi1>, vector<16xi32>
    %broadcast_in_dim3A_284 = vector.shape_cast %select_n3A_283 : vector<16xi32> to vector<16x1xi32>
    %gather3A_285 = vector.shape_cast %broadcast_in_dim3A_284 : vector<16x1xi32> to vector<16xi32>
    %gather3A_286 = tpu.dynamic_gather %select_n3A_263[%gather3A_285] in [0] : vector<16xi32>, vector<16xi32> -> vector<16xi32>
    %gt3A_287 = arith.cmpf ogt, %gather3A_276, %select_n3A_262 : vector<16xf32>
    %eq3A_288 = arith.cmpf oeq, %gather3A_276, %select_n3A_262 : vector<16xf32>
    %lt3A_289 = arith.cmpi slt, %gather3A_286, %select_n3A_263 : vector<16xi32>
    %and3A_290 = arith.andi %eq3A_288, %lt3A_289 : vector<16xi1>
    %or3A_291 = arith.ori %gt3A_287, %and3A_290 : vector<16xi1>
    %select_n3A_292 = arith.select %or3A_291, %gather3A_276, %select_n3A_262 : vector<16xi1>, vector<16xf32>
    %select_n3A_293 = arith.select %or3A_291, %gather3A_286, %select_n3A_263 : vector<16xi1>, vector<16xi32>
    %xor3A_294 = arith.constant 1 : i32
    %xor3A_295 = vector.broadcast %xor3A_294 : i32 to vector<16xi32>
    %xor3A_296 = arith.xori %iota3A, %xor3A_295 : vector<16xi32>
    %lt3A_297 = arith.constant 0 : i32
    %lt3A_298 = vector.broadcast %lt3A_297 : i32 to vector<16xi32>
    %lt3A_299 = arith.cmpi slt, %xor3A_296, %lt3A_298 : vector<16xi32>
    %add3A_300 = arith.constant 16 : i32
    %add3A_301 = vector.broadcast %add3A_300 : i32 to vector<16xi32>
    %add3A_302 = arith.addi %xor3A_296, %add3A_301 : vector<16xi32>
    %select_n3A_303 = arith.select %lt3A_299, %add3A_302, %xor3A_296 : vector<16xi1>, vector<16xi32>
    %broadcast_in_dim3A_304 = vector.shape_cast %select_n3A_303 : vector<16xi32> to vector<16x1xi32>
    %gather3A_305 = vector.shape_cast %broadcast_in_dim3A_304 : vector<16x1xi32> to vector<16xi32>
    %gather3A_306 = tpu.dynamic_gather %select_n3A_292[%gather3A_305] in [0] : vector<16xf32>, vector<16xi32> -> vector<16xf32>
    %lt3A_307 = arith.constant 0 : i32
    %lt3A_308 = vector.broadcast %lt3A_307 : i32 to vector<16xi32>
    %lt3A_309 = arith.cmpi slt, %xor3A_296, %lt3A_308 : vector<16xi32>
    %add3A_310 = arith.constant 16 : i32
    %add3A_311 = vector.broadcast %add3A_310 : i32 to vector<16xi32>
    %add3A_312 = arith.addi %xor3A_296, %add3A_311 : vector<16xi32>
    %select_n3A_313 = arith.select %lt3A_309, %add3A_312, %xor3A_296 : vector<16xi1>, vector<16xi32>
    %broadcast_in_dim3A_314 = vector.shape_cast %select_n3A_313 : vector<16xi32> to vector<16x1xi32>
    %gather3A_315 = vector.shape_cast %broadcast_in_dim3A_314 : vector<16x1xi32> to vector<16xi32>
    %gather3A_316 = tpu.dynamic_gather %select_n3A_293[%gather3A_315] in [0] : vector<16xi32>, vector<16xi32> -> vector<16xi32>
    %gt3A_317 = arith.cmpf ogt, %gather3A_306, %select_n3A_292 : vector<16xf32>
    %eq3A_318 = arith.cmpf oeq, %gather3A_306, %select_n3A_292 : vector<16xf32>
    %lt3A_319 = arith.cmpi slt, %gather3A_316, %select_n3A_293 : vector<16xi32>
    %and3A_320 = arith.andi %eq3A_318, %lt3A_319 : vector<16xi1>
    %or3A_321 = arith.ori %gt3A_317, %and3A_320 : vector<16xi1>
    %select_n3A_322 = arith.select %or3A_321, %gather3A_306, %select_n3A_292 : vector<16xi1>, vector<16xf32>
    %select_n3A_323 = arith.select %or3A_321, %gather3A_316, %select_n3A_293 : vector<16xi1>, vector<16xi32>
    %swap3A = arith.constant 0 : index
    %swap3A_324 = tpu.vector_load %arg5[%swap3A] {strides = array<i32>} : memref<16xi32, #tpu.memory_space<vmem>>, vector<16xi32>,
    %swap3A_325 = vector.shape_cast %swap3A_324 : vector<16xi32> to vector<16xi32>
    %swap3A_326 = vector.shape_cast %select_n3A_323 : vector<16xi32> to vector<16xi32>
    tpu.vector_store %arg5[%swap3A], %swap3A_326 {strides = array<i32>} : memref<16xi32, #tpu.memory_space<vmem>>, vector<16xi32>,
    "tpu.region"() ({
      %run_scoped3A = tpu.sem_alloc : memref<!tpu.dma_semaphore, #tpu.memory_space<semaphore_mem>>
      %dma_start3A_327 = arith.constant 0 : i32
      %dma_start3A_328 = tpu.memref_slice %arg3[%add3A, %dma_start3A_327] : memref<32x16xi32, #tpu.memory_space<hbm>> -> memref<1x16xi32, #tpu.memory_space<hbm>>
      %dma_start3A_329 = tpu.memref_squeeze %dma_start3A_328 : memref<1x16xi32, #tpu.memory_space<hbm>> -> memref<16xi32, #tpu.memory_space<hbm>>
      %dma_start3A_330 = arith.constant 0 : i32
      %dma_start3A_331 = tpu.memref_slice %arg3[%add3A, %dma_start3A_330] : memref<32x16xi32, #tpu.memory_space<hbm>> -> memref<1x16xi32, #tpu.memory_space<hbm>>
      %dma_start3A_332 = tpu.memref_squeeze %dma_start3A_331 : memref<1x16xi32, #tpu.memory_space<hbm>> -> memref<16xi32, #tpu.memory_space<hbm>>
      tpu.enqueue_dma source(%arg5 : memref<16xi32, #tpu.memory_space<vmem>>) target(%dma_start3A_332 : memref<16xi32, #tpu.memory_space<hbm>>) target_semaphore(%run_scoped3A : memref<!tpu.dma_semaphore, #tpu.memory_space<semaphore_mem>>)
      %dma_wait3A_333 = arith.constant 0 : i32
      %dma_wait3A_334 = tpu.memref_slice %arg3[%add3A, %dma_wait3A_333] : memref<32x16xi32, #tpu.memory_space<hbm>> -> memref<1x16xi32, #tpu.memory_space<hbm>>
      %dma_wait3A_335 = tpu.memref_squeeze %dma_wait3A_334 : memref<1x16xi32, #tpu.memory_space<hbm>> -> memref<16xi32, #tpu.memory_space<hbm>>
      %dma_wait3A_336 = arith.constant 0 : i32
      %dma_wait3A_337 = tpu.memref_slice %arg3[%add3A, %dma_wait3A_336] : memref<32x16xi32, #tpu.memory_space<hbm>> -> memref<1x16xi32, #tpu.memory_space<hbm>>
      %dma_wait3A_338 = tpu.memref_squeeze %dma_wait3A_337 : memref<1x16xi32, #tpu.memory_space<hbm>> -> memref<16xi32, #tpu.memory_space<hbm>>
      tpu.wait_dma2 semaphore(%run_scoped3A : memref<!tpu.dma_semaphore, #tpu.memory_space<semaphore_mem>>) src(%arg5 : memref<16xi32, #tpu.memory_space<vmem>>) dst(%dma_wait3A_338 : memref<16xi32, #tpu.memory_space<hbm>>)
      tpu.yield
    }) : () -> ()
    return
  }
}

module attributes {stable_mosaic.version = 14 : i64} {
  func.func @_tc_body(%arg0: i32, %arg1: memref<96x8192xf32, #tpu.memory_space<vmem>>, %arg2: memref<96x1xi32, #tpu.memory_space<vmem>>, %arg3: memref<96x128xf32, #tpu.memory_space<vmem>>, %arg4: memref<96x128xi32, #tpu.memory_space<vmem>>) attributes {dimension_semantics = [#tpu.dimension_semantics<arbitrary>], iteration_bounds = array<i64: 4>, scalar_prefetch = 0 : i64, scratch_operands = 2 : i64, tpu.core_type = #tpu.core_type<tc>, window_params = [{transform_indices = @transform_0, window_bounds = array<i64: 96, 8192>}, {pipeline_mode = #tpu.pipeline_mode<synchronous>, transform_indices = @transform_1, window_bounds = array<i64: 96, 1>}]} {
    %eq3A = arith.constant 0 : i32
    %eq3A_0 = arith.cmpi eq, %arg0, %eq3A : i32
    %convert_element_type3A = arith.extui %eq3A_0 : i1 to i32
    %cond3A = arith.constant 0 : i32
    %cond3A_1 = arith.cmpi ne, %convert_element_type3A, %cond3A : i32
    scf.if %cond3A_1 {
      %broadcast_in_dim3A_716 = arith.constant 0xFF800000 : f32
      %broadcast_in_dim3A_717 = vector.broadcast %broadcast_in_dim3A_716 : f32 to vector<96x128xf32>
      %swap3A_718 = arith.constant 0 : index
      %swap3A_719 = arith.constant 0 : index
      %swap3A_720 = vector.load %arg3[%swap3A_718, %swap3A_719] : memref<96x128xf32, #tpu.memory_space<vmem>>, vector<96x128xf32>
      tpu.vector_store %arg3[%swap3A_718, %swap3A_719], %broadcast_in_dim3A_717 {strides = array<i32>} : memref<96x128xf32, #tpu.memory_space<vmem>>, vector<96x128xf32>,
      %broadcast_in_dim3A_721 = arith.constant 0 : i32
      %broadcast_in_dim3A_722 = vector.broadcast %broadcast_in_dim3A_721 : i32 to vector<96x128xi32>
      %swap3A_723 = arith.constant 0 : index
      %swap3A_724 = arith.constant 0 : index
      %swap3A_725 = vector.load %arg4[%swap3A_723, %swap3A_724] : memref<96x128xi32, #tpu.memory_space<vmem>>, vector<96x128xi32>
      tpu.vector_store %arg4[%swap3A_723, %swap3A_724], %broadcast_in_dim3A_722 {strides = array<i32>} : memref<96x128xi32, #tpu.memory_space<vmem>>, vector<96x128xi32>,
    } else {
    }
    %get3A = arith.constant 0 : index
    %get3A_2 = arith.constant 0 : index
    %get3A_3 = vector.load %arg3[%get3A, %get3A_2] : memref<96x128xf32, #tpu.memory_space<vmem>>, vector<96x128xf32>
    %get3A_4 = arith.constant 0 : index
    %get3A_5 = arith.constant 0 : index
    %get3A_6 = vector.load %arg4[%get3A_4, %get3A_5] : memref<96x128xi32, #tpu.memory_space<vmem>>, vector<96x128xi32>
    %get3A_7 = arith.constant 0 : index
    %get3A_8 = arith.constant 0 : index
    %get3A_9 = vector.load %arg1[%get3A_7, %get3A_8] : memref<96x8192xf32, #tpu.memory_space<vmem>>, vector<96x128xf32>
    %mul3A = arith.constant 64 : i32
    %mul3A_10 = arith.muli %arg0, %mul3A : i32
    %add3A = arith.constant 0 : i32
    %add3A_11 = arith.addi %mul3A_10, %add3A : i32
    %gt3A = arith.cmpf ogt, %get3A_9, %get3A_3 : vector<96x128xf32>
    %broadcast_in_dim3A = vector.broadcast %add3A_11 : i32 to vector<96x128xi32>
    %select_n3A = arith.select %gt3A, %broadcast_in_dim3A, %get3A_6 : vector<96x128xi1>, vector<96x128xi32>
    %select_n3A_12 = arith.select %gt3A, %get3A_9, %get3A_3 : vector<96x128xi1>, vector<96x128xf32>
    %get3A_13 = arith.constant 0 : index
    %get3A_14 = arith.constant 128 : index
    %get3A_15 = vector.load %arg1[%get3A_13, %get3A_14] : memref<96x8192xf32, #tpu.memory_space<vmem>>, vector<96x128xf32>
    %mul3A_16 = arith.constant 64 : i32
    %mul3A_17 = arith.muli %arg0, %mul3A_16 : i32
    %add3A_18 = arith.constant 1 : i32
    %add3A_19 = arith.addi %mul3A_17, %add3A_18 : i32
    %gt3A_20 = arith.cmpf ogt, %get3A_15, %select_n3A_12 : vector<96x128xf32>
    %broadcast_in_dim3A_21 = vector.broadcast %add3A_19 : i32 to vector<96x128xi32>
    %select_n3A_22 = arith.select %gt3A_20, %broadcast_in_dim3A_21, %select_n3A : vector<96x128xi1>, vector<96x128xi32>
    %select_n3A_23 = arith.select %gt3A_20, %get3A_15, %select_n3A_12 : vector<96x128xi1>, vector<96x128xf32>
    %get3A_24 = arith.constant 0 : index
    %get3A_25 = arith.constant 256 : index
    %get3A_26 = vector.load %arg1[%get3A_24, %get3A_25] : memref<96x8192xf32, #tpu.memory_space<vmem>>, vector<96x128xf32>
    %mul3A_27 = arith.constant 64 : i32
    %mul3A_28 = arith.muli %arg0, %mul3A_27 : i32
    %add3A_29 = arith.constant 2 : i32
    %add3A_30 = arith.addi %mul3A_28, %add3A_29 : i32
    %gt3A_31 = arith.cmpf ogt, %get3A_26, %select_n3A_23 : vector<96x128xf32>
    %broadcast_in_dim3A_32 = vector.broadcast %add3A_30 : i32 to vector<96x128xi32>
    %select_n3A_33 = arith.select %gt3A_31, %broadcast_in_dim3A_32, %select_n3A_22 : vector<96x128xi1>, vector<96x128xi32>
    %select_n3A_34 = arith.select %gt3A_31, %get3A_26, %select_n3A_23 : vector<96x128xi1>, vector<96x128xf32>
    %get3A_35 = arith.constant 0 : index
    %get3A_36 = arith.constant 384 : index
    %get3A_37 = vector.load %arg1[%get3A_35, %get3A_36] : memref<96x8192xf32, #tpu.memory_space<vmem>>, vector<96x128xf32>
    %mul3A_38 = arith.constant 64 : i32
    %mul3A_39 = arith.muli %arg0, %mul3A_38 : i32
    %add3A_40 = arith.constant 3 : i32
    %add3A_41 = arith.addi %mul3A_39, %add3A_40 : i32
    %gt3A_42 = arith.cmpf ogt, %get3A_37, %select_n3A_34 : vector<96x128xf32>
    %broadcast_in_dim3A_43 = vector.broadcast %add3A_41 : i32 to vector<96x128xi32>
    %select_n3A_44 = arith.select %gt3A_42, %broadcast_in_dim3A_43, %select_n3A_33 : vector<96x128xi1>, vector<96x128xi32>
    %select_n3A_45 = arith.select %gt3A_42, %get3A_37, %select_n3A_34 : vector<96x128xi1>, vector<96x128xf32>
    %get3A_46 = arith.constant 0 : index
    %get3A_47 = arith.constant 512 : index
    %get3A_48 = vector.load %arg1[%get3A_46, %get3A_47] : memref<96x8192xf32, #tpu.memory_space<vmem>>, vector<96x128xf32>
    %mul3A_49 = arith.constant 64 : i32
    %mul3A_50 = arith.muli %arg0, %mul3A_49 : i32
    %add3A_51 = arith.constant 4 : i32
    %add3A_52 = arith.addi %mul3A_50, %add3A_51 : i32
    %gt3A_53 = arith.cmpf ogt, %get3A_48, %select_n3A_45 : vector<96x128xf32>
    %broadcast_in_dim3A_54 = vector.broadcast %add3A_52 : i32 to vector<96x128xi32>
    %select_n3A_55 = arith.select %gt3A_53, %broadcast_in_dim3A_54, %select_n3A_44 : vector<96x128xi1>, vector<96x128xi32>
    %select_n3A_56 = arith.select %gt3A_53, %get3A_48, %select_n3A_45 : vector<96x128xi1>, vector<96x128xf32>
    %get3A_57 = arith.constant 0 : index
    %get3A_58 = arith.constant 640 : index
    %get3A_59 = vector.load %arg1[%get3A_57, %get3A_58] : memref<96x8192xf32, #tpu.memory_space<vmem>>, vector<96x128xf32>
    %mul3A_60 = arith.constant 64 : i32
    %mul3A_61 = arith.muli %arg0, %mul3A_60 : i32
    %add3A_62 = arith.constant 5 : i32
    %add3A_63 = arith.addi %mul3A_61, %add3A_62 : i32
    %gt3A_64 = arith.cmpf ogt, %get3A_59, %select_n3A_56 : vector<96x128xf32>
    %broadcast_in_dim3A_65 = vector.broadcast %add3A_63 : i32 to vector<96x128xi32>
    %select_n3A_66 = arith.select %gt3A_64, %broadcast_in_dim3A_65, %select_n3A_55 : vector<96x128xi1>, vector<96x128xi32>
    %select_n3A_67 = arith.select %gt3A_64, %get3A_59, %select_n3A_56 : vector<96x128xi1>, vector<96x128xf32>
    %get3A_68 = arith.constant 0 : index
    %get3A_69 = arith.constant 768 : index
    %get3A_70 = vector.load %arg1[%get3A_68, %get3A_69] : memref<96x8192xf32, #tpu.memory_space<vmem>>, vector<96x128xf32>
    %mul3A_71 = arith.constant 64 : i32
    %mul3A_72 = arith.muli %arg0, %mul3A_71 : i32
    %add3A_73 = arith.constant 6 : i32
    %add3A_74 = arith.addi %mul3A_72, %add3A_73 : i32
    %gt3A_75 = arith.cmpf ogt, %get3A_70, %select_n3A_67 : vector<96x128xf32>
    %broadcast_in_dim3A_76 = vector.broadcast %add3A_74 : i32 to vector<96x128xi32>
    %select_n3A_77 = arith.select %gt3A_75, %broadcast_in_dim3A_76, %select_n3A_66 : vector<96x128xi1>, vector<96x128xi32>
    %select_n3A_78 = arith.select %gt3A_75, %get3A_70, %select_n3A_67 : vector<96x128xi1>, vector<96x128xf32>
    %get3A_79 = arith.constant 0 : index
    %get3A_80 = arith.constant 896 : index
    %get3A_81 = vector.load %arg1[%get3A_79, %get3A_80] : memref<96x8192xf32, #tpu.memory_space<vmem>>, vector<96x128xf32>
    %mul3A_82 = arith.constant 64 : i32
    %mul3A_83 = arith.muli %arg0, %mul3A_82 : i32
    %add3A_84 = arith.constant 7 : i32
    %add3A_85 = arith.addi %mul3A_83, %add3A_84 : i32
    %gt3A_86 = arith.cmpf ogt, %get3A_81, %select_n3A_78 : vector<96x128xf32>
    %broadcast_in_dim3A_87 = vector.broadcast %add3A_85 : i32 to vector<96x128xi32>
    %select_n3A_88 = arith.select %gt3A_86, %broadcast_in_dim3A_87, %select_n3A_77 : vector<96x128xi1>, vector<96x128xi32>
    %select_n3A_89 = arith.select %gt3A_86, %get3A_81, %select_n3A_78 : vector<96x128xi1>, vector<96x128xf32>
    %get3A_90 = arith.constant 0 : index
    %get3A_91 = arith.constant 1024 : index
    %get3A_92 = vector.load %arg1[%get3A_90, %get3A_91] : memref<96x8192xf32, #tpu.memory_space<vmem>>, vector<96x128xf32>
    %mul3A_93 = arith.constant 64 : i32
    %mul3A_94 = arith.muli %arg0, %mul3A_93 : i32
    %add3A_95 = arith.constant 8 : i32
    %add3A_96 = arith.addi %mul3A_94, %add3A_95 : i32
    %gt3A_97 = arith.cmpf ogt, %get3A_92, %select_n3A_89 : vector<96x128xf32>
    %broadcast_in_dim3A_98 = vector.broadcast %add3A_96 : i32 to vector<96x128xi32>
    %select_n3A_99 = arith.select %gt3A_97, %broadcast_in_dim3A_98, %select_n3A_88 : vector<96x128xi1>, vector<96x128xi32>
    %select_n3A_100 = arith.select %gt3A_97, %get3A_92, %select_n3A_89 : vector<96x128xi1>, vector<96x128xf32>
    %get3A_101 = arith.constant 0 : index
    %get3A_102 = arith.constant 1152 : index
    %get3A_103 = vector.load %arg1[%get3A_101, %get3A_102] : memref<96x8192xf32, #tpu.memory_space<vmem>>, vector<96x128xf32>
    %mul3A_104 = arith.constant 64 : i32
    %mul3A_105 = arith.muli %arg0, %mul3A_104 : i32
    %add3A_106 = arith.constant 9 : i32
    %add3A_107 = arith.addi %mul3A_105, %add3A_106 : i32
    %gt3A_108 = arith.cmpf ogt, %get3A_103, %select_n3A_100 : vector<96x128xf32>
    %broadcast_in_dim3A_109 = vector.broadcast %add3A_107 : i32 to vector<96x128xi32>
    %select_n3A_110 = arith.select %gt3A_108, %broadcast_in_dim3A_109, %select_n3A_99 : vector<96x128xi1>, vector<96x128xi32>
    %select_n3A_111 = arith.select %gt3A_108, %get3A_103, %select_n3A_100 : vector<96x128xi1>, vector<96x128xf32>
    %get3A_112 = arith.constant 0 : index
    %get3A_113 = arith.constant 1280 : index
    %get3A_114 = vector.load %arg1[%get3A_112, %get3A_113] : memref<96x8192xf32, #tpu.memory_space<vmem>>, vector<96x128xf32>
    %mul3A_115 = arith.constant 64 : i32
    %mul3A_116 = arith.muli %arg0, %mul3A_115 : i32
    %add3A_117 = arith.constant 10 : i32
    %add3A_118 = arith.addi %mul3A_116, %add3A_117 : i32
    %gt3A_119 = arith.cmpf ogt, %get3A_114, %select_n3A_111 : vector<96x128xf32>
    %broadcast_in_dim3A_120 = vector.broadcast %add3A_118 : i32 to vector<96x128xi32>
    %select_n3A_121 = arith.select %gt3A_119, %broadcast_in_dim3A_120, %select_n3A_110 : vector<96x128xi1>, vector<96x128xi32>
    %select_n3A_122 = arith.select %gt3A_119, %get3A_114, %select_n3A_111 : vector<96x128xi1>, vector<96x128xf32>
    %get3A_123 = arith.constant 0 : index
    %get3A_124 = arith.constant 1408 : index
    %get3A_125 = vector.load %arg1[%get3A_123, %get3A_124] : memref<96x8192xf32, #tpu.memory_space<vmem>>, vector<96x128xf32>
    %mul3A_126 = arith.constant 64 : i32
    %mul3A_127 = arith.muli %arg0, %mul3A_126 : i32
    %add3A_128 = arith.constant 11 : i32
    %add3A_129 = arith.addi %mul3A_127, %add3A_128 : i32
    %gt3A_130 = arith.cmpf ogt, %get3A_125, %select_n3A_122 : vector<96x128xf32>
    %broadcast_in_dim3A_131 = vector.broadcast %add3A_129 : i32 to vector<96x128xi32>
    %select_n3A_132 = arith.select %gt3A_130, %broadcast_in_dim3A_131, %select_n3A_121 : vector<96x128xi1>, vector<96x128xi32>
    %select_n3A_133 = arith.select %gt3A_130, %get3A_125, %select_n3A_122 : vector<96x128xi1>, vector<96x128xf32>
    %get3A_134 = arith.constant 0 : index
    %get3A_135 = arith.constant 1536 : index
    %get3A_136 = vector.load %arg1[%get3A_134, %get3A_135] : memref<96x8192xf32, #tpu.memory_space<vmem>>, vector<96x128xf32>
    %mul3A_137 = arith.constant 64 : i32
    %mul3A_138 = arith.muli %arg0, %mul3A_137 : i32
    %add3A_139 = arith.constant 12 : i32
    %add3A_140 = arith.addi %mul3A_138, %add3A_139 : i32
    %gt3A_141 = arith.cmpf ogt, %get3A_136, %select_n3A_133 : vector<96x128xf32>
    %broadcast_in_dim3A_142 = vector.broadcast %add3A_140 : i32 to vector<96x128xi32>
    %select_n3A_143 = arith.select %gt3A_141, %broadcast_in_dim3A_142, %select_n3A_132 : vector<96x128xi1>, vector<96x128xi32>
    %select_n3A_144 = arith.select %gt3A_141, %get3A_136, %select_n3A_133 : vector<96x128xi1>, vector<96x128xf32>
    %get3A_145 = arith.constant 0 : index
    %get3A_146 = arith.constant 1664 : index
    %get3A_147 = vector.load %arg1[%get3A_145, %get3A_146] : memref<96x8192xf32, #tpu.memory_space<vmem>>, vector<96x128xf32>
    %mul3A_148 = arith.constant 64 : i32
    %mul3A_149 = arith.muli %arg0, %mul3A_148 : i32
    %add3A_150 = arith.constant 13 : i32
    %add3A_151 = arith.addi %mul3A_149, %add3A_150 : i32
    %gt3A_152 = arith.cmpf ogt, %get3A_147, %select_n3A_144 : vector<96x128xf32>
    %broadcast_in_dim3A_153 = vector.broadcast %add3A_151 : i32 to vector<96x128xi32>
    %select_n3A_154 = arith.select %gt3A_152, %broadcast_in_dim3A_153, %select_n3A_143 : vector<96x128xi1>, vector<96x128xi32>
    %select_n3A_155 = arith.select %gt3A_152, %get3A_147, %select_n3A_144 : vector<96x128xi1>, vector<96x128xf32>
    %get3A_156 = arith.constant 0 : index
    %get3A_157 = arith.constant 1792 : index
    %get3A_158 = vector.load %arg1[%get3A_156, %get3A_157] : memref<96x8192xf32, #tpu.memory_space<vmem>>, vector<96x128xf32>
    %mul3A_159 = arith.constant 64 : i32
    %mul3A_160 = arith.muli %arg0, %mul3A_159 : i32
    %add3A_161 = arith.constant 14 : i32
    %add3A_162 = arith.addi %mul3A_160, %add3A_161 : i32
    %gt3A_163 = arith.cmpf ogt, %get3A_158, %select_n3A_155 : vector<96x128xf32>
    %broadcast_in_dim3A_164 = vector.broadcast %add3A_162 : i32 to vector<96x128xi32>
    %select_n3A_165 = arith.select %gt3A_163, %broadcast_in_dim3A_164, %select_n3A_154 : vector<96x128xi1>, vector<96x128xi32>
    %select_n3A_166 = arith.select %gt3A_163, %get3A_158, %select_n3A_155 : vector<96x128xi1>, vector<96x128xf32>
    %get3A_167 = arith.constant 0 : index
    %get3A_168 = arith.constant 1920 : index
    %get3A_169 = vector.load %arg1[%get3A_167, %get3A_168] : memref<96x8192xf32, #tpu.memory_space<vmem>>, vector<96x128xf32>
    %mul3A_170 = arith.constant 64 : i32
    %mul3A_171 = arith.muli %arg0, %mul3A_170 : i32
    %add3A_172 = arith.constant 15 : i32
    %add3A_173 = arith.addi %mul3A_171, %add3A_172 : i32
    %gt3A_174 = arith.cmpf ogt, %get3A_169, %select_n3A_166 : vector<96x128xf32>
    %broadcast_in_dim3A_175 = vector.broadcast %add3A_173 : i32 to vector<96x128xi32>
    %select_n3A_176 = arith.select %gt3A_174, %broadcast_in_dim3A_175, %select_n3A_165 : vector<96x128xi1>, vector<96x128xi32>
    %select_n3A_177 = arith.select %gt3A_174, %get3A_169, %select_n3A_166 : vector<96x128xi1>, vector<96x128xf32>
    %get3A_178 = arith.constant 0 : index
    %get3A_179 = arith.constant 2048 : index
    %get3A_180 = vector.load %arg1[%get3A_178, %get3A_179] : memref<96x8192xf32, #tpu.memory_space<vmem>>, vector<96x128xf32>
    %mul3A_181 = arith.constant 64 : i32
    %mul3A_182 = arith.muli %arg0, %mul3A_181 : i32
    %add3A_183 = arith.constant 16 : i32
    %add3A_184 = arith.addi %mul3A_182, %add3A_183 : i32
    %gt3A_185 = arith.cmpf ogt, %get3A_180, %select_n3A_177 : vector<96x128xf32>
    %broadcast_in_dim3A_186 = vector.broadcast %add3A_184 : i32 to vector<96x128xi32>
    %select_n3A_187 = arith.select %gt3A_185, %broadcast_in_dim3A_186, %select_n3A_176 : vector<96x128xi1>, vector<96x128xi32>
    %select_n3A_188 = arith.select %gt3A_185, %get3A_180, %select_n3A_177 : vector<96x128xi1>, vector<96x128xf32>
    %get3A_189 = arith.constant 0 : index
    %get3A_190 = arith.constant 2176 : index
    %get3A_191 = vector.load %arg1[%get3A_189, %get3A_190] : memref<96x8192xf32, #tpu.memory_space<vmem>>, vector<96x128xf32>
    %mul3A_192 = arith.constant 64 : i32
    %mul3A_193 = arith.muli %arg0, %mul3A_192 : i32
    %add3A_194 = arith.constant 17 : i32
    %add3A_195 = arith.addi %mul3A_193, %add3A_194 : i32
    %gt3A_196 = arith.cmpf ogt, %get3A_191, %select_n3A_188 : vector<96x128xf32>
    %broadcast_in_dim3A_197 = vector.broadcast %add3A_195 : i32 to vector<96x128xi32>
    %select_n3A_198 = arith.select %gt3A_196, %broadcast_in_dim3A_197, %select_n3A_187 : vector<96x128xi1>, vector<96x128xi32>
    %select_n3A_199 = arith.select %gt3A_196, %get3A_191, %select_n3A_188 : vector<96x128xi1>, vector<96x128xf32>
    %get3A_200 = arith.constant 0 : index
    %get3A_201 = arith.constant 2304 : index
    %get3A_202 = vector.load %arg1[%get3A_200, %get3A_201] : memref<96x8192xf32, #tpu.memory_space<vmem>>, vector<96x128xf32>
    %mul3A_203 = arith.constant 64 : i32
    %mul3A_204 = arith.muli %arg0, %mul3A_203 : i32
    %add3A_205 = arith.constant 18 : i32
    %add3A_206 = arith.addi %mul3A_204, %add3A_205 : i32
    %gt3A_207 = arith.cmpf ogt, %get3A_202, %select_n3A_199 : vector<96x128xf32>
    %broadcast_in_dim3A_208 = vector.broadcast %add3A_206 : i32 to vector<96x128xi32>
    %select_n3A_209 = arith.select %gt3A_207, %broadcast_in_dim3A_208, %select_n3A_198 : vector<96x128xi1>, vector<96x128xi32>
    %select_n3A_210 = arith.select %gt3A_207, %get3A_202, %select_n3A_199 : vector<96x128xi1>, vector<96x128xf32>
    %get3A_211 = arith.constant 0 : index
    %get3A_212 = arith.constant 2432 : index
    %get3A_213 = vector.load %arg1[%get3A_211, %get3A_212] : memref<96x8192xf32, #tpu.memory_space<vmem>>, vector<96x128xf32>
    %mul3A_214 = arith.constant 64 : i32
    %mul3A_215 = arith.muli %arg0, %mul3A_214 : i32
    %add3A_216 = arith.constant 19 : i32
    %add3A_217 = arith.addi %mul3A_215, %add3A_216 : i32
    %gt3A_218 = arith.cmpf ogt, %get3A_213, %select_n3A_210 : vector<96x128xf32>
    %broadcast_in_dim3A_219 = vector.broadcast %add3A_217 : i32 to vector<96x128xi32>
    %select_n3A_220 = arith.select %gt3A_218, %broadcast_in_dim3A_219, %select_n3A_209 : vector<96x128xi1>, vector<96x128xi32>
    %select_n3A_221 = arith.select %gt3A_218, %get3A_213, %select_n3A_210 : vector<96x128xi1>, vector<96x128xf32>
    %get3A_222 = arith.constant 0 : index
    %get3A_223 = arith.constant 2560 : index
    %get3A_224 = vector.load %arg1[%get3A_222, %get3A_223] : memref<96x8192xf32, #tpu.memory_space<vmem>>, vector<96x128xf32>
    %mul3A_225 = arith.constant 64 : i32
    %mul3A_226 = arith.muli %arg0, %mul3A_225 : i32
    %add3A_227 = arith.constant 20 : i32
    %add3A_228 = arith.addi %mul3A_226, %add3A_227 : i32
    %gt3A_229 = arith.cmpf ogt, %get3A_224, %select_n3A_221 : vector<96x128xf32>
    %broadcast_in_dim3A_230 = vector.broadcast %add3A_228 : i32 to vector<96x128xi32>
    %select_n3A_231 = arith.select %gt3A_229, %broadcast_in_dim3A_230, %select_n3A_220 : vector<96x128xi1>, vector<96x128xi32>
    %select_n3A_232 = arith.select %gt3A_229, %get3A_224, %select_n3A_221 : vector<96x128xi1>, vector<96x128xf32>
    %get3A_233 = arith.constant 0 : index
    %get3A_234 = arith.constant 2688 : index
    %get3A_235 = vector.load %arg1[%get3A_233, %get3A_234] : memref<96x8192xf32, #tpu.memory_space<vmem>>, vector<96x128xf32>
    %mul3A_236 = arith.constant 64 : i32
    %mul3A_237 = arith.muli %arg0, %mul3A_236 : i32
    %add3A_238 = arith.constant 21 : i32
    %add3A_239 = arith.addi %mul3A_237, %add3A_238 : i32
    %gt3A_240 = arith.cmpf ogt, %get3A_235, %select_n3A_232 : vector<96x128xf32>
    %broadcast_in_dim3A_241 = vector.broadcast %add3A_239 : i32 to vector<96x128xi32>
    %select_n3A_242 = arith.select %gt3A_240, %broadcast_in_dim3A_241, %select_n3A_231 : vector<96x128xi1>, vector<96x128xi32>
    %select_n3A_243 = arith.select %gt3A_240, %get3A_235, %select_n3A_232 : vector<96x128xi1>, vector<96x128xf32>
    %get3A_244 = arith.constant 0 : index
    %get3A_245 = arith.constant 2816 : index
    %get3A_246 = vector.load %arg1[%get3A_244, %get3A_245] : memref<96x8192xf32, #tpu.memory_space<vmem>>, vector<96x128xf32>
    %mul3A_247 = arith.constant 64 : i32
    %mul3A_248 = arith.muli %arg0, %mul3A_247 : i32
    %add3A_249 = arith.constant 22 : i32
    %add3A_250 = arith.addi %mul3A_248, %add3A_249 : i32
    %gt3A_251 = arith.cmpf ogt, %get3A_246, %select_n3A_243 : vector<96x128xf32>
    %broadcast_in_dim3A_252 = vector.broadcast %add3A_250 : i32 to vector<96x128xi32>
    %select_n3A_253 = arith.select %gt3A_251, %broadcast_in_dim3A_252, %select_n3A_242 : vector<96x128xi1>, vector<96x128xi32>
    %select_n3A_254 = arith.select %gt3A_251, %get3A_246, %select_n3A_243 : vector<96x128xi1>, vector<96x128xf32>
    %get3A_255 = arith.constant 0 : index
    %get3A_256 = arith.constant 2944 : index
    %get3A_257 = vector.load %arg1[%get3A_255, %get3A_256] : memref<96x8192xf32, #tpu.memory_space<vmem>>, vector<96x128xf32>
    %mul3A_258 = arith.constant 64 : i32
    %mul3A_259 = arith.muli %arg0, %mul3A_258 : i32
    %add3A_260 = arith.constant 23 : i32
    %add3A_261 = arith.addi %mul3A_259, %add3A_260 : i32
    %gt3A_262 = arith.cmpf ogt, %get3A_257, %select_n3A_254 : vector<96x128xf32>
    %broadcast_in_dim3A_263 = vector.broadcast %add3A_261 : i32 to vector<96x128xi32>
    %select_n3A_264 = arith.select %gt3A_262, %broadcast_in_dim3A_263, %select_n3A_253 : vector<96x128xi1>, vector<96x128xi32>
    %select_n3A_265 = arith.select %gt3A_262, %get3A_257, %select_n3A_254 : vector<96x128xi1>, vector<96x128xf32>
    %get3A_266 = arith.constant 0 : index
    %get3A_267 = arith.constant 3072 : index
    %get3A_268 = vector.load %arg1[%get3A_266, %get3A_267] : memref<96x8192xf32, #tpu.memory_space<vmem>>, vector<96x128xf32>
    %mul3A_269 = arith.constant 64 : i32
    %mul3A_270 = arith.muli %arg0, %mul3A_269 : i32
    %add3A_271 = arith.constant 24 : i32
    %add3A_272 = arith.addi %mul3A_270, %add3A_271 : i32
    %gt3A_273 = arith.cmpf ogt, %get3A_268, %select_n3A_265 : vector<96x128xf32>
    %broadcast_in_dim3A_274 = vector.broadcast %add3A_272 : i32 to vector<96x128xi32>
    %select_n3A_275 = arith.select %gt3A_273, %broadcast_in_dim3A_274, %select_n3A_264 : vector<96x128xi1>, vector<96x128xi32>
    %select_n3A_276 = arith.select %gt3A_273, %get3A_268, %select_n3A_265 : vector<96x128xi1>, vector<96x128xf32>
    %get3A_277 = arith.constant 0 : index
    %get3A_278 = arith.constant 3200 : index
    %get3A_279 = vector.load %arg1[%get3A_277, %get3A_278] : memref<96x8192xf32, #tpu.memory_space<vmem>>, vector<96x128xf32>
    %mul3A_280 = arith.constant 64 : i32
    %mul3A_281 = arith.muli %arg0, %mul3A_280 : i32
    %add3A_282 = arith.constant 25 : i32
    %add3A_283 = arith.addi %mul3A_281, %add3A_282 : i32
    %gt3A_284 = arith.cmpf ogt, %get3A_279, %select_n3A_276 : vector<96x128xf32>
    %broadcast_in_dim3A_285 = vector.broadcast %add3A_283 : i32 to vector<96x128xi32>
    %select_n3A_286 = arith.select %gt3A_284, %broadcast_in_dim3A_285, %select_n3A_275 : vector<96x128xi1>, vector<96x128xi32>
    %select_n3A_287 = arith.select %gt3A_284, %get3A_279, %select_n3A_276 : vector<96x128xi1>, vector<96x128xf32>
    %get3A_288 = arith.constant 0 : index
    %get3A_289 = arith.constant 3328 : index
    %get3A_290 = vector.load %arg1[%get3A_288, %get3A_289] : memref<96x8192xf32, #tpu.memory_space<vmem>>, vector<96x128xf32>
    %mul3A_291 = arith.constant 64 : i32
    %mul3A_292 = arith.muli %arg0, %mul3A_291 : i32
    %add3A_293 = arith.constant 26 : i32
    %add3A_294 = arith.addi %mul3A_292, %add3A_293 : i32
    %gt3A_295 = arith.cmpf ogt, %get3A_290, %select_n3A_287 : vector<96x128xf32>
    %broadcast_in_dim3A_296 = vector.broadcast %add3A_294 : i32 to vector<96x128xi32>
    %select_n3A_297 = arith.select %gt3A_295, %broadcast_in_dim3A_296, %select_n3A_286 : vector<96x128xi1>, vector<96x128xi32>
    %select_n3A_298 = arith.select %gt3A_295, %get3A_290, %select_n3A_287 : vector<96x128xi1>, vector<96x128xf32>
    %get3A_299 = arith.constant 0 : index
    %get3A_300 = arith.constant 3456 : index
    %get3A_301 = vector.load %arg1[%get3A_299, %get3A_300] : memref<96x8192xf32, #tpu.memory_space<vmem>>, vector<96x128xf32>
    %mul3A_302 = arith.constant 64 : i32
    %mul3A_303 = arith.muli %arg0, %mul3A_302 : i32
    %add3A_304 = arith.constant 27 : i32
    %add3A_305 = arith.addi %mul3A_303, %add3A_304 : i32
    %gt3A_306 = arith.cmpf ogt, %get3A_301, %select_n3A_298 : vector<96x128xf32>
    %broadcast_in_dim3A_307 = vector.broadcast %add3A_305 : i32 to vector<96x128xi32>
    %select_n3A_308 = arith.select %gt3A_306, %broadcast_in_dim3A_307, %select_n3A_297 : vector<96x128xi1>, vector<96x128xi32>
    %select_n3A_309 = arith.select %gt3A_306, %get3A_301, %select_n3A_298 : vector<96x128xi1>, vector<96x128xf32>
    %get3A_310 = arith.constant 0 : index
    %get3A_311 = arith.constant 3584 : index
    %get3A_312 = vector.load %arg1[%get3A_310, %get3A_311] : memref<96x8192xf32, #tpu.memory_space<vmem>>, vector<96x128xf32>
    %mul3A_313 = arith.constant 64 : i32
    %mul3A_314 = arith.muli %arg0, %mul3A_313 : i32
    %add3A_315 = arith.constant 28 : i32
    %add3A_316 = arith.addi %mul3A_314, %add3A_315 : i32
    %gt3A_317 = arith.cmpf ogt, %get3A_312, %select_n3A_309 : vector<96x128xf32>
    %broadcast_in_dim3A_318 = vector.broadcast %add3A_316 : i32 to vector<96x128xi32>
    %select_n3A_319 = arith.select %gt3A_317, %broadcast_in_dim3A_318, %select_n3A_308 : vector<96x128xi1>, vector<96x128xi32>
    %select_n3A_320 = arith.select %gt3A_317, %get3A_312, %select_n3A_309 : vector<96x128xi1>, vector<96x128xf32>
    %get3A_321 = arith.constant 0 : index
    %get3A_322 = arith.constant 3712 : index
    %get3A_323 = vector.load %arg1[%get3A_321, %get3A_322] : memref<96x8192xf32, #tpu.memory_space<vmem>>, vector<96x128xf32>
    %mul3A_324 = arith.constant 64 : i32
    %mul3A_325 = arith.muli %arg0, %mul3A_324 : i32
    %add3A_326 = arith.constant 29 : i32
    %add3A_327 = arith.addi %mul3A_325, %add3A_326 : i32
    %gt3A_328 = arith.cmpf ogt, %get3A_323, %select_n3A_320 : vector<96x128xf32>
    %broadcast_in_dim3A_329 = vector.broadcast %add3A_327 : i32 to vector<96x128xi32>
    %select_n3A_330 = arith.select %gt3A_328, %broadcast_in_dim3A_329, %select_n3A_319 : vector<96x128xi1>, vector<96x128xi32>
    %select_n3A_331 = arith.select %gt3A_328, %get3A_323, %select_n3A_320 : vector<96x128xi1>, vector<96x128xf32>
    %get3A_332 = arith.constant 0 : index
    %get3A_333 = arith.constant 3840 : index
    %get3A_334 = vector.load %arg1[%get3A_332, %get3A_333] : memref<96x8192xf32, #tpu.memory_space<vmem>>, vector<96x128xf32>
    %mul3A_335 = arith.constant 64 : i32
    %mul3A_336 = arith.muli %arg0, %mul3A_335 : i32
    %add3A_337 = arith.constant 30 : i32
    %add3A_338 = arith.addi %mul3A_336, %add3A_337 : i32
    %gt3A_339 = arith.cmpf ogt, %get3A_334, %select_n3A_331 : vector<96x128xf32>
    %broadcast_in_dim3A_340 = vector.broadcast %add3A_338 : i32 to vector<96x128xi32>
    %select_n3A_341 = arith.select %gt3A_339, %broadcast_in_dim3A_340, %select_n3A_330 : vector<96x128xi1>, vector<96x128xi32>
    %select_n3A_342 = arith.select %gt3A_339, %get3A_334, %select_n3A_331 : vector<96x128xi1>, vector<96x128xf32>
    %get3A_343 = arith.constant 0 : index
    %get3A_344 = arith.constant 3968 : index
    %get3A_345 = vector.load %arg1[%get3A_343, %get3A_344] : memref<96x8192xf32, #tpu.memory_space<vmem>>, vector<96x128xf32>
    %mul3A_346 = arith.constant 64 : i32
    %mul3A_347 = arith.muli %arg0, %mul3A_346 : i32
    %add3A_348 = arith.constant 31 : i32
    %add3A_349 = arith.addi %mul3A_347, %add3A_348 : i32
    %gt3A_350 = arith.cmpf ogt, %get3A_345, %select_n3A_342 : vector<96x128xf32>
    %broadcast_in_dim3A_351 = vector.broadcast %add3A_349 : i32 to vector<96x128xi32>
    %select_n3A_352 = arith.select %gt3A_350, %broadcast_in_dim3A_351, %select_n3A_341 : vector<96x128xi1>, vector<96x128xi32>
    %select_n3A_353 = arith.select %gt3A_350, %get3A_345, %select_n3A_342 : vector<96x128xi1>, vector<96x128xf32>
    %get3A_354 = arith.constant 0 : index
    %get3A_355 = arith.constant 4096 : index
    %get3A_356 = vector.load %arg1[%get3A_354, %get3A_355] : memref<96x8192xf32, #tpu.memory_space<vmem>>, vector<96x128xf32>
    %mul3A_357 = arith.constant 64 : i32
    %mul3A_358 = arith.muli %arg0, %mul3A_357 : i32
    %add3A_359 = arith.constant 32 : i32
    %add3A_360 = arith.addi %mul3A_358, %add3A_359 : i32
    %gt3A_361 = arith.cmpf ogt, %get3A_356, %select_n3A_353 : vector<96x128xf32>
    %broadcast_in_dim3A_362 = vector.broadcast %add3A_360 : i32 to vector<96x128xi32>
    %select_n3A_363 = arith.select %gt3A_361, %broadcast_in_dim3A_362, %select_n3A_352 : vector<96x128xi1>, vector<96x128xi32>
    %select_n3A_364 = arith.select %gt3A_361, %get3A_356, %select_n3A_353 : vector<96x128xi1>, vector<96x128xf32>
    %get3A_365 = arith.constant 0 : index
    %get3A_366 = arith.constant 4224 : index
    %get3A_367 = vector.load %arg1[%get3A_365, %get3A_366] : memref<96x8192xf32, #tpu.memory_space<vmem>>, vector<96x128xf32>
    %mul3A_368 = arith.constant 64 : i32
    %mul3A_369 = arith.muli %arg0, %mul3A_368 : i32
    %add3A_370 = arith.constant 33 : i32
    %add3A_371 = arith.addi %mul3A_369, %add3A_370 : i32
    %gt3A_372 = arith.cmpf ogt, %get3A_367, %select_n3A_364 : vector<96x128xf32>
    %broadcast_in_dim3A_373 = vector.broadcast %add3A_371 : i32 to vector<96x128xi32>
    %select_n3A_374 = arith.select %gt3A_372, %broadcast_in_dim3A_373, %select_n3A_363 : vector<96x128xi1>, vector<96x128xi32>
    %select_n3A_375 = arith.select %gt3A_372, %get3A_367, %select_n3A_364 : vector<96x128xi1>, vector<96x128xf32>
    %get3A_376 = arith.constant 0 : index
    %get3A_377 = arith.constant 4352 : index
    %get3A_378 = vector.load %arg1[%get3A_376, %get3A_377] : memref<96x8192xf32, #tpu.memory_space<vmem>>, vector<96x128xf32>
    %mul3A_379 = arith.constant 64 : i32
    %mul3A_380 = arith.muli %arg0, %mul3A_379 : i32
    %add3A_381 = arith.constant 34 : i32
    %add3A_382 = arith.addi %mul3A_380, %add3A_381 : i32
    %gt3A_383 = arith.cmpf ogt, %get3A_378, %select_n3A_375 : vector<96x128xf32>
    %broadcast_in_dim3A_384 = vector.broadcast %add3A_382 : i32 to vector<96x128xi32>
    %select_n3A_385 = arith.select %gt3A_383, %broadcast_in_dim3A_384, %select_n3A_374 : vector<96x128xi1>, vector<96x128xi32>
    %select_n3A_386 = arith.select %gt3A_383, %get3A_378, %select_n3A_375 : vector<96x128xi1>, vector<96x128xf32>
    %get3A_387 = arith.constant 0 : index
    %get3A_388 = arith.constant 4480 : index
    %get3A_389 = vector.load %arg1[%get3A_387, %get3A_388] : memref<96x8192xf32, #tpu.memory_space<vmem>>, vector<96x128xf32>
    %mul3A_390 = arith.constant 64 : i32
    %mul3A_391 = arith.muli %arg0, %mul3A_390 : i32
    %add3A_392 = arith.constant 35 : i32
    %add3A_393 = arith.addi %mul3A_391, %add3A_392 : i32
    %gt3A_394 = arith.cmpf ogt, %get3A_389, %select_n3A_386 : vector<96x128xf32>
    %broadcast_in_dim3A_395 = vector.broadcast %add3A_393 : i32 to vector<96x128xi32>
    %select_n3A_396 = arith.select %gt3A_394, %broadcast_in_dim3A_395, %select_n3A_385 : vector<96x128xi1>, vector<96x128xi32>
    %select_n3A_397 = arith.select %gt3A_394, %get3A_389, %select_n3A_386 : vector<96x128xi1>, vector<96x128xf32>
    %get3A_398 = arith.constant 0 : index
    %get3A_399 = arith.constant 4608 : index
    %get3A_400 = vector.load %arg1[%get3A_398, %get3A_399] : memref<96x8192xf32, #tpu.memory_space<vmem>>, vector<96x128xf32>
    %mul3A_401 = arith.constant 64 : i32
    %mul3A_402 = arith.muli %arg0, %mul3A_401 : i32
    %add3A_403 = arith.constant 36 : i32
    %add3A_404 = arith.addi %mul3A_402, %add3A_403 : i32
    %gt3A_405 = arith.cmpf ogt, %get3A_400, %select_n3A_397 : vector<96x128xf32>
    %broadcast_in_dim3A_406 = vector.broadcast %add3A_404 : i32 to vector<96x128xi32>
    %select_n3A_407 = arith.select %gt3A_405, %broadcast_in_dim3A_406, %select_n3A_396 : vector<96x128xi1>, vector<96x128xi32>
    %select_n3A_408 = arith.select %gt3A_405, %get3A_400, %select_n3A_397 : vector<96x128xi1>, vector<96x128xf32>
    %get3A_409 = arith.constant 0 : index
    %get3A_410 = arith.constant 4736 : index
    %get3A_411 = vector.load %arg1[%get3A_409, %get3A_410] : memref<96x8192xf32, #tpu.memory_space<vmem>>, vector<96x128xf32>
    %mul3A_412 = arith.constant 64 : i32
    %mul3A_413 = arith.muli %arg0, %mul3A_412 : i32
    %add3A_414 = arith.constant 37 : i32
    %add3A_415 = arith.addi %mul3A_413, %add3A_414 : i32
    %gt3A_416 = arith.cmpf ogt, %get3A_411, %select_n3A_408 : vector<96x128xf32>
    %broadcast_in_dim3A_417 = vector.broadcast %add3A_415 : i32 to vector<96x128xi32>
    %select_n3A_418 = arith.select %gt3A_416, %broadcast_in_dim3A_417, %select_n3A_407 : vector<96x128xi1>, vector<96x128xi32>
    %select_n3A_419 = arith.select %gt3A_416, %get3A_411, %select_n3A_408 : vector<96x128xi1>, vector<96x128xf32>
    %get3A_420 = arith.constant 0 : index
    %get3A_421 = arith.constant 4864 : index
    %get3A_422 = vector.load %arg1[%get3A_420, %get3A_421] : memref<96x8192xf32, #tpu.memory_space<vmem>>, vector<96x128xf32>
    %mul3A_423 = arith.constant 64 : i32
    %mul3A_424 = arith.muli %arg0, %mul3A_423 : i32
    %add3A_425 = arith.constant 38 : i32
    %add3A_426 = arith.addi %mul3A_424, %add3A_425 : i32
    %gt3A_427 = arith.cmpf ogt, %get3A_422, %select_n3A_419 : vector<96x128xf32>
    %broadcast_in_dim3A_428 = vector.broadcast %add3A_426 : i32 to vector<96x128xi32>
    %select_n3A_429 = arith.select %gt3A_427, %broadcast_in_dim3A_428, %select_n3A_418 : vector<96x128xi1>, vector<96x128xi32>
    %select_n3A_430 = arith.select %gt3A_427, %get3A_422, %select_n3A_419 : vector<96x128xi1>, vector<96x128xf32>
    %get3A_431 = arith.constant 0 : index
    %get3A_432 = arith.constant 4992 : index
    %get3A_433 = vector.load %arg1[%get3A_431, %get3A_432] : memref<96x8192xf32, #tpu.memory_space<vmem>>, vector<96x128xf32>
    %mul3A_434 = arith.constant 64 : i32
    %mul3A_435 = arith.muli %arg0, %mul3A_434 : i32
    %add3A_436 = arith.constant 39 : i32
    %add3A_437 = arith.addi %mul3A_435, %add3A_436 : i32
    %gt3A_438 = arith.cmpf ogt, %get3A_433, %select_n3A_430 : vector<96x128xf32>
    %broadcast_in_dim3A_439 = vector.broadcast %add3A_437 : i32 to vector<96x128xi32>
    %select_n3A_440 = arith.select %gt3A_438, %broadcast_in_dim3A_439, %select_n3A_429 : vector<96x128xi1>, vector<96x128xi32>
    %select_n3A_441 = arith.select %gt3A_438, %get3A_433, %select_n3A_430 : vector<96x128xi1>, vector<96x128xf32>
    %get3A_442 = arith.constant 0 : index
    %get3A_443 = arith.constant 5120 : index
    %get3A_444 = vector.load %arg1[%get3A_442, %get3A_443] : memref<96x8192xf32, #tpu.memory_space<vmem>>, vector<96x128xf32>
    %mul3A_445 = arith.constant 64 : i32
    %mul3A_446 = arith.muli %arg0, %mul3A_445 : i32
    %add3A_447 = arith.constant 40 : i32
    %add3A_448 = arith.addi %mul3A_446, %add3A_447 : i32
    %gt3A_449 = arith.cmpf ogt, %get3A_444, %select_n3A_441 : vector<96x128xf32>
    %broadcast_in_dim3A_450 = vector.broadcast %add3A_448 : i32 to vector<96x128xi32>
    %select_n3A_451 = arith.select %gt3A_449, %broadcast_in_dim3A_450, %select_n3A_440 : vector<96x128xi1>, vector<96x128xi32>
    %select_n3A_452 = arith.select %gt3A_449, %get3A_444, %select_n3A_441 : vector<96x128xi1>, vector<96x128xf32>
    %get3A_453 = arith.constant 0 : index
    %get3A_454 = arith.constant 5248 : index
    %get3A_455 = vector.load %arg1[%get3A_453, %get3A_454] : memref<96x8192xf32, #tpu.memory_space<vmem>>, vector<96x128xf32>
    %mul3A_456 = arith.constant 64 : i32
    %mul3A_457 = arith.muli %arg0, %mul3A_456 : i32
    %add3A_458 = arith.constant 41 : i32
    %add3A_459 = arith.addi %mul3A_457, %add3A_458 : i32
    %gt3A_460 = arith.cmpf ogt, %get3A_455, %select_n3A_452 : vector<96x128xf32>
    %broadcast_in_dim3A_461 = vector.broadcast %add3A_459 : i32 to vector<96x128xi32>
    %select_n3A_462 = arith.select %gt3A_460, %broadcast_in_dim3A_461, %select_n3A_451 : vector<96x128xi1>, vector<96x128xi32>
    %select_n3A_463 = arith.select %gt3A_460, %get3A_455, %select_n3A_452 : vector<96x128xi1>, vector<96x128xf32>
    %get3A_464 = arith.constant 0 : index
    %get3A_465 = arith.constant 5376 : index
    %get3A_466 = vector.load %arg1[%get3A_464, %get3A_465] : memref<96x8192xf32, #tpu.memory_space<vmem>>, vector<96x128xf32>
    %mul3A_467 = arith.constant 64 : i32
    %mul3A_468 = arith.muli %arg0, %mul3A_467 : i32
    %add3A_469 = arith.constant 42 : i32
    %add3A_470 = arith.addi %mul3A_468, %add3A_469 : i32
    %gt3A_471 = arith.cmpf ogt, %get3A_466, %select_n3A_463 : vector<96x128xf32>
    %broadcast_in_dim3A_472 = vector.broadcast %add3A_470 : i32 to vector<96x128xi32>
    %select_n3A_473 = arith.select %gt3A_471, %broadcast_in_dim3A_472, %select_n3A_462 : vector<96x128xi1>, vector<96x128xi32>
    %select_n3A_474 = arith.select %gt3A_471, %get3A_466, %select_n3A_463 : vector<96x128xi1>, vector<96x128xf32>
    %get3A_475 = arith.constant 0 : index
    %get3A_476 = arith.constant 5504 : index
    %get3A_477 = vector.load %arg1[%get3A_475, %get3A_476] : memref<96x8192xf32, #tpu.memory_space<vmem>>, vector<96x128xf32>
    %mul3A_478 = arith.constant 64 : i32
    %mul3A_479 = arith.muli %arg0, %mul3A_478 : i32
    %add3A_480 = arith.constant 43 : i32
    %add3A_481 = arith.addi %mul3A_479, %add3A_480 : i32
    %gt3A_482 = arith.cmpf ogt, %get3A_477, %select_n3A_474 : vector<96x128xf32>
    %broadcast_in_dim3A_483 = vector.broadcast %add3A_481 : i32 to vector<96x128xi32>
    %select_n3A_484 = arith.select %gt3A_482, %broadcast_in_dim3A_483, %select_n3A_473 : vector<96x128xi1>, vector<96x128xi32>
    %select_n3A_485 = arith.select %gt3A_482, %get3A_477, %select_n3A_474 : vector<96x128xi1>, vector<96x128xf32>
    %get3A_486 = arith.constant 0 : index
    %get3A_487 = arith.constant 5632 : index
    %get3A_488 = vector.load %arg1[%get3A_486, %get3A_487] : memref<96x8192xf32, #tpu.memory_space<vmem>>, vector<96x128xf32>
    %mul3A_489 = arith.constant 64 : i32
    %mul3A_490 = arith.muli %arg0, %mul3A_489 : i32
    %add3A_491 = arith.constant 44 : i32
    %add3A_492 = arith.addi %mul3A_490, %add3A_491 : i32
    %gt3A_493 = arith.cmpf ogt, %get3A_488, %select_n3A_485 : vector<96x128xf32>
    %broadcast_in_dim3A_494 = vector.broadcast %add3A_492 : i32 to vector<96x128xi32>
    %select_n3A_495 = arith.select %gt3A_493, %broadcast_in_dim3A_494, %select_n3A_484 : vector<96x128xi1>, vector<96x128xi32>
    %select_n3A_496 = arith.select %gt3A_493, %get3A_488, %select_n3A_485 : vector<96x128xi1>, vector<96x128xf32>
    %get3A_497 = arith.constant 0 : index
    %get3A_498 = arith.constant 5760 : index
    %get3A_499 = vector.load %arg1[%get3A_497, %get3A_498] : memref<96x8192xf32, #tpu.memory_space<vmem>>, vector<96x128xf32>
    %mul3A_500 = arith.constant 64 : i32
    %mul3A_501 = arith.muli %arg0, %mul3A_500 : i32
    %add3A_502 = arith.constant 45 : i32
    %add3A_503 = arith.addi %mul3A_501, %add3A_502 : i32
    %gt3A_504 = arith.cmpf ogt, %get3A_499, %select_n3A_496 : vector<96x128xf32>
    %broadcast_in_dim3A_505 = vector.broadcast %add3A_503 : i32 to vector<96x128xi32>
    %select_n3A_506 = arith.select %gt3A_504, %broadcast_in_dim3A_505, %select_n3A_495 : vector<96x128xi1>, vector<96x128xi32>
    %select_n3A_507 = arith.select %gt3A_504, %get3A_499, %select_n3A_496 : vector<96x128xi1>, vector<96x128xf32>
    %get3A_508 = arith.constant 0 : index
    %get3A_509 = arith.constant 5888 : index
    %get3A_510 = vector.load %arg1[%get3A_508, %get3A_509] : memref<96x8192xf32, #tpu.memory_space<vmem>>, vector<96x128xf32>
    %mul3A_511 = arith.constant 64 : i32
    %mul3A_512 = arith.muli %arg0, %mul3A_511 : i32
    %add3A_513 = arith.constant 46 : i32
    %add3A_514 = arith.addi %mul3A_512, %add3A_513 : i32
    %gt3A_515 = arith.cmpf ogt, %get3A_510, %select_n3A_507 : vector<96x128xf32>
    %broadcast_in_dim3A_516 = vector.broadcast %add3A_514 : i32 to vector<96x128xi32>
    %select_n3A_517 = arith.select %gt3A_515, %broadcast_in_dim3A_516, %select_n3A_506 : vector<96x128xi1>, vector<96x128xi32>
    %select_n3A_518 = arith.select %gt3A_515, %get3A_510, %select_n3A_507 : vector<96x128xi1>, vector<96x128xf32>
    %get3A_519 = arith.constant 0 : index
    %get3A_520 = arith.constant 6016 : index
    %get3A_521 = vector.load %arg1[%get3A_519, %get3A_520] : memref<96x8192xf32, #tpu.memory_space<vmem>>, vector<96x128xf32>
    %mul3A_522 = arith.constant 64 : i32
    %mul3A_523 = arith.muli %arg0, %mul3A_522 : i32
    %add3A_524 = arith.constant 47 : i32
    %add3A_525 = arith.addi %mul3A_523, %add3A_524 : i32
    %gt3A_526 = arith.cmpf ogt, %get3A_521, %select_n3A_518 : vector<96x128xf32>
    %broadcast_in_dim3A_527 = vector.broadcast %add3A_525 : i32 to vector<96x128xi32>
    %select_n3A_528 = arith.select %gt3A_526, %broadcast_in_dim3A_527, %select_n3A_517 : vector<96x128xi1>, vector<96x128xi32>
    %select_n3A_529 = arith.select %gt3A_526, %get3A_521, %select_n3A_518 : vector<96x128xi1>, vector<96x128xf32>
    %get3A_530 = arith.constant 0 : index
    %get3A_531 = arith.constant 6144 : index
    %get3A_532 = vector.load %arg1[%get3A_530, %get3A_531] : memref<96x8192xf32, #tpu.memory_space<vmem>>, vector<96x128xf32>
    %mul3A_533 = arith.constant 64 : i32
    %mul3A_534 = arith.muli %arg0, %mul3A_533 : i32
    %add3A_535 = arith.constant 48 : i32
    %add3A_536 = arith.addi %mul3A_534, %add3A_535 : i32
    %gt3A_537 = arith.cmpf ogt, %get3A_532, %select_n3A_529 : vector<96x128xf32>
    %broadcast_in_dim3A_538 = vector.broadcast %add3A_536 : i32 to vector<96x128xi32>
    %select_n3A_539 = arith.select %gt3A_537, %broadcast_in_dim3A_538, %select_n3A_528 : vector<96x128xi1>, vector<96x128xi32>
    %select_n3A_540 = arith.select %gt3A_537, %get3A_532, %select_n3A_529 : vector<96x128xi1>, vector<96x128xf32>
    %get3A_541 = arith.constant 0 : index
    %get3A_542 = arith.constant 6272 : index
    %get3A_543 = vector.load %arg1[%get3A_541, %get3A_542] : memref<96x8192xf32, #tpu.memory_space<vmem>>, vector<96x128xf32>
    %mul3A_544 = arith.constant 64 : i32
    %mul3A_545 = arith.muli %arg0, %mul3A_544 : i32
    %add3A_546 = arith.constant 49 : i32
    %add3A_547 = arith.addi %mul3A_545, %add3A_546 : i32
    %gt3A_548 = arith.cmpf ogt, %get3A_543, %select_n3A_540 : vector<96x128xf32>
    %broadcast_in_dim3A_549 = vector.broadcast %add3A_547 : i32 to vector<96x128xi32>
    %select_n3A_550 = arith.select %gt3A_548, %broadcast_in_dim3A_549, %select_n3A_539 : vector<96x128xi1>, vector<96x128xi32>
    %select_n3A_551 = arith.select %gt3A_548, %get3A_543, %select_n3A_540 : vector<96x128xi1>, vector<96x128xf32>
    %get3A_552 = arith.constant 0 : index
    %get3A_553 = arith.constant 6400 : index
    %get3A_554 = vector.load %arg1[%get3A_552, %get3A_553] : memref<96x8192xf32, #tpu.memory_space<vmem>>, vector<96x128xf32>
    %mul3A_555 = arith.constant 64 : i32
    %mul3A_556 = arith.muli %arg0, %mul3A_555 : i32
    %add3A_557 = arith.constant 50 : i32
    %add3A_558 = arith.addi %mul3A_556, %add3A_557 : i32
    %gt3A_559 = arith.cmpf ogt, %get3A_554, %select_n3A_551 : vector<96x128xf32>
    %broadcast_in_dim3A_560 = vector.broadcast %add3A_558 : i32 to vector<96x128xi32>
    %select_n3A_561 = arith.select %gt3A_559, %broadcast_in_dim3A_560, %select_n3A_550 : vector<96x128xi1>, vector<96x128xi32>
    %select_n3A_562 = arith.select %gt3A_559, %get3A_554, %select_n3A_551 : vector<96x128xi1>, vector<96x128xf32>
    %get3A_563 = arith.constant 0 : index
    %get3A_564 = arith.constant 6528 : index
    %get3A_565 = vector.load %arg1[%get3A_563, %get3A_564] : memref<96x8192xf32, #tpu.memory_space<vmem>>, vector<96x128xf32>
    %mul3A_566 = arith.constant 64 : i32
    %mul3A_567 = arith.muli %arg0, %mul3A_566 : i32
    %add3A_568 = arith.constant 51 : i32
    %add3A_569 = arith.addi %mul3A_567, %add3A_568 : i32
    %gt3A_570 = arith.cmpf ogt, %get3A_565, %select_n3A_562 : vector<96x128xf32>
    %broadcast_in_dim3A_571 = vector.broadcast %add3A_569 : i32 to vector<96x128xi32>
    %select_n3A_572 = arith.select %gt3A_570, %broadcast_in_dim3A_571, %select_n3A_561 : vector<96x128xi1>, vector<96x128xi32>
    %select_n3A_573 = arith.select %gt3A_570, %get3A_565, %select_n3A_562 : vector<96x128xi1>, vector<96x128xf32>
    %get3A_574 = arith.constant 0 : index
    %get3A_575 = arith.constant 6656 : index
    %get3A_576 = vector.load %arg1[%get3A_574, %get3A_575] : memref<96x8192xf32, #tpu.memory_space<vmem>>, vector<96x128xf32>
    %mul3A_577 = arith.constant 64 : i32
    %mul3A_578 = arith.muli %arg0, %mul3A_577 : i32
    %add3A_579 = arith.constant 52 : i32
    %add3A_580 = arith.addi %mul3A_578, %add3A_579 : i32
    %gt3A_581 = arith.cmpf ogt, %get3A_576, %select_n3A_573 : vector<96x128xf32>
    %broadcast_in_dim3A_582 = vector.broadcast %add3A_580 : i32 to vector<96x128xi32>
    %select_n3A_583 = arith.select %gt3A_581, %broadcast_in_dim3A_582, %select_n3A_572 : vector<96x128xi1>, vector<96x128xi32>
    %select_n3A_584 = arith.select %gt3A_581, %get3A_576, %select_n3A_573 : vector<96x128xi1>, vector<96x128xf32>
    %get3A_585 = arith.constant 0 : index
    %get3A_586 = arith.constant 6784 : index
    %get3A_587 = vector.load %arg1[%get3A_585, %get3A_586] : memref<96x8192xf32, #tpu.memory_space<vmem>>, vector<96x128xf32>
    %mul3A_588 = arith.constant 64 : i32
    %mul3A_589 = arith.muli %arg0, %mul3A_588 : i32
    %add3A_590 = arith.constant 53 : i32
    %add3A_591 = arith.addi %mul3A_589, %add3A_590 : i32
    %gt3A_592 = arith.cmpf ogt, %get3A_587, %select_n3A_584 : vector<96x128xf32>
    %broadcast_in_dim3A_593 = vector.broadcast %add3A_591 : i32 to vector<96x128xi32>
    %select_n3A_594 = arith.select %gt3A_592, %broadcast_in_dim3A_593, %select_n3A_583 : vector<96x128xi1>, vector<96x128xi32>
    %select_n3A_595 = arith.select %gt3A_592, %get3A_587, %select_n3A_584 : vector<96x128xi1>, vector<96x128xf32>
    %get3A_596 = arith.constant 0 : index
    %get3A_597 = arith.constant 6912 : index
    %get3A_598 = vector.load %arg1[%get3A_596, %get3A_597] : memref<96x8192xf32, #tpu.memory_space<vmem>>, vector<96x128xf32>
    %mul3A_599 = arith.constant 64 : i32
    %mul3A_600 = arith.muli %arg0, %mul3A_599 : i32
    %add3A_601 = arith.constant 54 : i32
    %add3A_602 = arith.addi %mul3A_600, %add3A_601 : i32
    %gt3A_603 = arith.cmpf ogt, %get3A_598, %select_n3A_595 : vector<96x128xf32>
    %broadcast_in_dim3A_604 = vector.broadcast %add3A_602 : i32 to vector<96x128xi32>
    %select_n3A_605 = arith.select %gt3A_603, %broadcast_in_dim3A_604, %select_n3A_594 : vector<96x128xi1>, vector<96x128xi32>
    %select_n3A_606 = arith.select %gt3A_603, %get3A_598, %select_n3A_595 : vector<96x128xi1>, vector<96x128xf32>
    %get3A_607 = arith.constant 0 : index
    %get3A_608 = arith.constant 7040 : index
    %get3A_609 = vector.load %arg1[%get3A_607, %get3A_608] : memref<96x8192xf32, #tpu.memory_space<vmem>>, vector<96x128xf32>
    %mul3A_610 = arith.constant 64 : i32
    %mul3A_611 = arith.muli %arg0, %mul3A_610 : i32
    %add3A_612 = arith.constant 55 : i32
    %add3A_613 = arith.addi %mul3A_611, %add3A_612 : i32
    %gt3A_614 = arith.cmpf ogt, %get3A_609, %select_n3A_606 : vector<96x128xf32>
    %broadcast_in_dim3A_615 = vector.broadcast %add3A_613 : i32 to vector<96x128xi32>
    %select_n3A_616 = arith.select %gt3A_614, %broadcast_in_dim3A_615, %select_n3A_605 : vector<96x128xi1>, vector<96x128xi32>
    %select_n3A_617 = arith.select %gt3A_614, %get3A_609, %select_n3A_606 : vector<96x128xi1>, vector<96x128xf32>
    %get3A_618 = arith.constant 0 : index
    %get3A_619 = arith.constant 7168 : index
    %get3A_620 = vector.load %arg1[%get3A_618, %get3A_619] : memref<96x8192xf32, #tpu.memory_space<vmem>>, vector<96x128xf32>
    %mul3A_621 = arith.constant 64 : i32
    %mul3A_622 = arith.muli %arg0, %mul3A_621 : i32
    %add3A_623 = arith.constant 56 : i32
    %add3A_624 = arith.addi %mul3A_622, %add3A_623 : i32
    %gt3A_625 = arith.cmpf ogt, %get3A_620, %select_n3A_617 : vector<96x128xf32>
    %broadcast_in_dim3A_626 = vector.broadcast %add3A_624 : i32 to vector<96x128xi32>
    %select_n3A_627 = arith.select %gt3A_625, %broadcast_in_dim3A_626, %select_n3A_616 : vector<96x128xi1>, vector<96x128xi32>
    %select_n3A_628 = arith.select %gt3A_625, %get3A_620, %select_n3A_617 : vector<96x128xi1>, vector<96x128xf32>
    %get3A_629 = arith.constant 0 : index
    %get3A_630 = arith.constant 7296 : index
    %get3A_631 = vector.load %arg1[%get3A_629, %get3A_630] : memref<96x8192xf32, #tpu.memory_space<vmem>>, vector<96x128xf32>
    %mul3A_632 = arith.constant 64 : i32
    %mul3A_633 = arith.muli %arg0, %mul3A_632 : i32
    %add3A_634 = arith.constant 57 : i32
    %add3A_635 = arith.addi %mul3A_633, %add3A_634 : i32
    %gt3A_636 = arith.cmpf ogt, %get3A_631, %select_n3A_628 : vector<96x128xf32>
    %broadcast_in_dim3A_637 = vector.broadcast %add3A_635 : i32 to vector<96x128xi32>
    %select_n3A_638 = arith.select %gt3A_636, %broadcast_in_dim3A_637, %select_n3A_627 : vector<96x128xi1>, vector<96x128xi32>
    %select_n3A_639 = arith.select %gt3A_636, %get3A_631, %select_n3A_628 : vector<96x128xi1>, vector<96x128xf32>
    %get3A_640 = arith.constant 0 : index
    %get3A_641 = arith.constant 7424 : index
    %get3A_642 = vector.load %arg1[%get3A_640, %get3A_641] : memref<96x8192xf32, #tpu.memory_space<vmem>>, vector<96x128xf32>
    %mul3A_643 = arith.constant 64 : i32
    %mul3A_644 = arith.muli %arg0, %mul3A_643 : i32
    %add3A_645 = arith.constant 58 : i32
    %add3A_646 = arith.addi %mul3A_644, %add3A_645 : i32
    %gt3A_647 = arith.cmpf ogt, %get3A_642, %select_n3A_639 : vector<96x128xf32>
    %broadcast_in_dim3A_648 = vector.broadcast %add3A_646 : i32 to vector<96x128xi32>
    %select_n3A_649 = arith.select %gt3A_647, %broadcast_in_dim3A_648, %select_n3A_638 : vector<96x128xi1>, vector<96x128xi32>
    %select_n3A_650 = arith.select %gt3A_647, %get3A_642, %select_n3A_639 : vector<96x128xi1>, vector<96x128xf32>
    %get3A_651 = arith.constant 0 : index
    %get3A_652 = arith.constant 7552 : index
    %get3A_653 = vector.load %arg1[%get3A_651, %get3A_652] : memref<96x8192xf32, #tpu.memory_space<vmem>>, vector<96x128xf32>
    %mul3A_654 = arith.constant 64 : i32
    %mul3A_655 = arith.muli %arg0, %mul3A_654 : i32
    %add3A_656 = arith.constant 59 : i32
    %add3A_657 = arith.addi %mul3A_655, %add3A_656 : i32
    %gt3A_658 = arith.cmpf ogt, %get3A_653, %select_n3A_650 : vector<96x128xf32>
    %broadcast_in_dim3A_659 = vector.broadcast %add3A_657 : i32 to vector<96x128xi32>
    %select_n3A_660 = arith.select %gt3A_658, %broadcast_in_dim3A_659, %select_n3A_649 : vector<96x128xi1>, vector<96x128xi32>
    %select_n3A_661 = arith.select %gt3A_658, %get3A_653, %select_n3A_650 : vector<96x128xi1>, vector<96x128xf32>
    %get3A_662 = arith.constant 0 : index
    %get3A_663 = arith.constant 7680 : index
    %get3A_664 = vector.load %arg1[%get3A_662, %get3A_663] : memref<96x8192xf32, #tpu.memory_space<vmem>>, vector<96x128xf32>
    %mul3A_665 = arith.constant 64 : i32
    %mul3A_666 = arith.muli %arg0, %mul3A_665 : i32
    %add3A_667 = arith.constant 60 : i32
    %add3A_668 = arith.addi %mul3A_666, %add3A_667 : i32
    %gt3A_669 = arith.cmpf ogt, %get3A_664, %select_n3A_661 : vector<96x128xf32>
    %broadcast_in_dim3A_670 = vector.broadcast %add3A_668 : i32 to vector<96x128xi32>
    %select_n3A_671 = arith.select %gt3A_669, %broadcast_in_dim3A_670, %select_n3A_660 : vector<96x128xi1>, vector<96x128xi32>
    %select_n3A_672 = arith.select %gt3A_669, %get3A_664, %select_n3A_661 : vector<96x128xi1>, vector<96x128xf32>
    %get3A_673 = arith.constant 0 : index
    %get3A_674 = arith.constant 7808 : index
    %get3A_675 = vector.load %arg1[%get3A_673, %get3A_674] : memref<96x8192xf32, #tpu.memory_space<vmem>>, vector<96x128xf32>
    %mul3A_676 = arith.constant 64 : i32
    %mul3A_677 = arith.muli %arg0, %mul3A_676 : i32
    %add3A_678 = arith.constant 61 : i32
    %add3A_679 = arith.addi %mul3A_677, %add3A_678 : i32
    %gt3A_680 = arith.cmpf ogt, %get3A_675, %select_n3A_672 : vector<96x128xf32>
    %broadcast_in_dim3A_681 = vector.broadcast %add3A_679 : i32 to vector<96x128xi32>
    %select_n3A_682 = arith.select %gt3A_680, %broadcast_in_dim3A_681, %select_n3A_671 : vector<96x128xi1>, vector<96x128xi32>
    %select_n3A_683 = arith.select %gt3A_680, %get3A_675, %select_n3A_672 : vector<96x128xi1>, vector<96x128xf32>
    %get3A_684 = arith.constant 0 : index
    %get3A_685 = arith.constant 7936 : index
    %get3A_686 = vector.load %arg1[%get3A_684, %get3A_685] : memref<96x8192xf32, #tpu.memory_space<vmem>>, vector<96x128xf32>
    %mul3A_687 = arith.constant 64 : i32
    %mul3A_688 = arith.muli %arg0, %mul3A_687 : i32
    %add3A_689 = arith.constant 62 : i32
    %add3A_690 = arith.addi %mul3A_688, %add3A_689 : i32
    %gt3A_691 = arith.cmpf ogt, %get3A_686, %select_n3A_683 : vector<96x128xf32>
    %broadcast_in_dim3A_692 = vector.broadcast %add3A_690 : i32 to vector<96x128xi32>
    %select_n3A_693 = arith.select %gt3A_691, %broadcast_in_dim3A_692, %select_n3A_682 : vector<96x128xi1>, vector<96x128xi32>
    %select_n3A_694 = arith.select %gt3A_691, %get3A_686, %select_n3A_683 : vector<96x128xi1>, vector<96x128xf32>
    %get3A_695 = arith.constant 0 : index
    %get3A_696 = arith.constant 8064 : index
    %get3A_697 = vector.load %arg1[%get3A_695, %get3A_696] : memref<96x8192xf32, #tpu.memory_space<vmem>>, vector<96x128xf32>
    %mul3A_698 = arith.constant 64 : i32
    %mul3A_699 = arith.muli %arg0, %mul3A_698 : i32
    %add3A_700 = arith.constant 63 : i32
    %add3A_701 = arith.addi %mul3A_699, %add3A_700 : i32
    %gt3A_702 = arith.cmpf ogt, %get3A_697, %select_n3A_694 : vector<96x128xf32>
    %broadcast_in_dim3A_703 = vector.broadcast %add3A_701 : i32 to vector<96x128xi32>
    %select_n3A_704 = arith.select %gt3A_702, %broadcast_in_dim3A_703, %select_n3A_693 : vector<96x128xi1>, vector<96x128xi32>
    %select_n3A_705 = arith.select %gt3A_702, %get3A_697, %select_n3A_694 : vector<96x128xi1>, vector<96x128xf32>
    %swap3A = arith.constant 0 : index
    %swap3A_706 = arith.constant 0 : index
    %swap3A_707 = vector.load %arg3[%swap3A, %swap3A_706] : memref<96x128xf32, #tpu.memory_space<vmem>>, vector<96x128xf32>
    tpu.vector_store %arg3[%swap3A, %swap3A_706], %select_n3A_705 {strides = array<i32>} : memref<96x128xf32, #tpu.memory_space<vmem>>, vector<96x128xf32>,
    %swap3A_708 = arith.constant 0 : index
    %swap3A_709 = arith.constant 0 : index
    %swap3A_710 = vector.load %arg4[%swap3A_708, %swap3A_709] : memref<96x128xi32, #tpu.memory_space<vmem>>, vector<96x128xi32>
    tpu.vector_store %arg4[%swap3A_708, %swap3A_709], %select_n3A_704 {strides = array<i32>} : memref<96x128xi32, #tpu.memory_space<vmem>>, vector<96x128xi32>,
    %eq3A_711 = arith.constant 3 : i32
    %eq3A_712 = arith.cmpi eq, %arg0, %eq3A_711 : i32
    %convert_element_type3A_713 = arith.extui %eq3A_712 : i1 to i32
    %cond3A_714 = arith.constant 0 : i32
    %cond3A_715 = arith.cmpi ne, %convert_element_type3A_713, %cond3A_714 : i32
    scf.if %cond3A_715 {
      %reduce_max3A = arith.constant dense<0xFF800000> : vector<96xf32>
      %reduce_max3A_716 = vector.multi_reduction <maximumf>, %select_n3A_705, %reduce_max3A [1] : vector<96x128xf32> to vector<96xf32>
      %broadcast_in_dim3A_717 = vector.shape_cast %reduce_max3A_716 : vector<96xf32> to vector<96x1xf32>
      %mul3A_718 = arith.constant 128 : i32
      %mul3A_719 = vector.broadcast %mul3A_718 : i32 to vector<96x128xi32>
      %mul3A_720 = arith.muli %select_n3A_704, %mul3A_719 : vector<96x128xi32>
      %iota3A = tpu.iota {dimensions = array<i32: 1>} : vector<96x128xi32>
      %add3A_721 = arith.addi %mul3A_720, %iota3A : vector<96x128xi32>
      %eq3A_722 = vector.broadcast %broadcast_in_dim3A_717 : vector<96x1xf32> to vector<96x128xf32>
      %eq3A_723 = arith.cmpf oeq, %select_n3A_705, %eq3A_722 : vector<96x128xf32>
      %jit3A = arith.constant 2147483647 : i32
      %broadcast_in_dim3A_724 = vector.broadcast %jit3A : i32 to vector<96x128xi32>
      %select_n3A_725 = arith.select %eq3A_723, %add3A_721, %broadcast_in_dim3A_724 : vector<96x128xi1>, vector<96x128xi32>
      %reduce_min3A = arith.constant dense<2147483647> : vector<96xi32>
      %reduce_min3A_726 = vector.multi_reduction <minsi>, %select_n3A_725, %reduce_min3A [1] : vector<96x128xi32> to vector<96xi32>
      %broadcast_in_dim3A_727 = vector.shape_cast %reduce_min3A_726 : vector<96xi32> to vector<96x1xi32>
      %swap3A_728 = arith.constant 0 : index
      %swap3A_729 = arith.constant 0 : index
      %swap3A_730 = vector.load %arg2[%swap3A_728, %swap3A_729] : memref<96x1xi32, #tpu.memory_space<vmem>>, vector<96x1xi32>
      tpu.vector_store %arg2[%swap3A_728, %swap3A_729], %broadcast_in_dim3A_727 {strides = array<i32>} : memref<96x1xi32, #tpu.memory_space<vmem>>, vector<96x1xi32>,
    } else {
    }
    return
  }
  func.func @transform_0(%arg0: i32) -> (i32, i32) {
    %c0_i32 = arith.constant 0 : i32
    %c0_i32_0 = arith.constant 0 : i32
    return %c0_i32, %arg0 : i32, i32
  }
  func.func @transform_1(%arg0: i32) -> (i32, i32) {
    %c0_i32 = arith.constant 0 : i32
    %c0_i32_0 = arith.constant 0 : i32
    %c0_i32_1 = arith.constant 0 : i32
    return %c0_i32, %c0_i32_0 : i32, i32
  }
}

</mosaic_0001>

<sc_bundles>
// kernel: kernel.4.cloned.1.call-start
scs
__scs_entry_jumppad:
0x0: {  	(pc) =	sbr.rel $0x88, $3  }
0x1: {  	(tag) =	ssettag $0x0;
	lr =	simm.s32 $0x1  }
0x2: {  	[smem:$0x3FA0] =	sst lr;
	_ =	strace $0xD0000000  }
0x3: {  	_ = 	snop  }
0x4: {  	_ = 	snop  }
0x5: {  	_ = 	snop  }
0x6: {  	_ = 	snop  }
0x7: {  	_ = 	snop  }
__scs_overlays_trampoline_lowered:
0x8: {  	[smem:$0x3FAF] =	sst s0  }
0x9: {  	[smem:$0x3FB0] =	sst s1  }
0xa: {  	[smem:$0x3FB1] =	sst s2  }
0xb: {  	[smem:$0x3FB2] =	sst s3  }
0xc: {  	[smem:$0x3FB3] =	sst s4  }
0xd: {  	[smem:$0x3FB4] =	sst s5  }
0xe: {  	[smem:$0x3FB5] =	sst s6  }
0xf: {  	[smem:$0x3FB6] =	sst s7  }
0x10: {  	[smem:$0x3FB7] =	sst s8  }
0x11: {  	[smem:$0x3FB8] =	sst s9;
	s0 =	simm.s32 @!p0 $0x0  }
0x12: {  	s1 =	sld [smem:$0x3F9E];
	s0 =	simm.s32 @p0 $0x1  }
0x13: {  	[smem:$0x3FB9] =	sst s0;
	s0 =	simm.s32 @!p1 $0x0  }
0x14: {  	s2 =	sld [smem:$0x3F9D];
	s0 =	simm.s32 @p1 $0x1  }
0x15: {  	[smem:$0x3FBA] =	sst s0;
	s0 =	simm.s32 @!p2 $0x0  }
0x16: {  	s3 =	sld [smem:$0x3FDB];
	s0 =	simm.s32 @p2 $0x1  }
0x17: {  	s4 =	simm.s32 $0x1BF5;
	[smem:$0x3FBC] =	sst s0  }
0x18: {  	s0 =	sld [smem:$0x3F9F];
	_ =	swait.ge [sflag:s4], $0x0  }
0x19: {  	s7 =	sld [smem:$0x3FA0]  }
0x1a: {  	s8 =	sadd.s32 $0xFFFFE003, lr  }
0x1b: {  	s9 =	sadd.s32 $0xFFFFFEF7, lr;
	s5 =	simm.s32 $0xFFFFFFFF;
	p2 =	slt.u32 s8, $0xFFFFF086  }
0x1c: {  	p1 =	slt.u32 s9, $0xF7A;
	s5 =	simm.s32 @!p2 $0x0  }
0x1d: {  	s5 =	simm.s32 @p1 $0x1;
	p0 =	seq.s32 s7, s2  }
0x1e: {  	s7 =	smul.u32 @!p0 $0xF7A, s2;
	p2 =	seq.s32 @!p0 s5, $0x0  }
0x1f: {  	s9 =	smul.u32 $0xF7A, s1;
	s8 =	simm.s32 @!p0 $0x1BF5;
	p2 =	por !p2, p0  }
0x20: {  	[sflag:s8] =	ssyncset.s32 @!p0 $0xFFFFF086;
	s6 =	sadd.s32 @!p0 s3, s7;
	s7 =	simm.s32 @!p0 $0x108  }
0x21: {  	s3 =	sadd.s32 s3, s9;
	s6 =	sadd.s32 @!p0 $0x88, s6;
	s7 =	simm.s32 @p2 $0x1082  }
0x22: {  	[simem:s7], [sflag:s8] =	dma.local @!p0 [hbm:s6], $0xF7A  }
0x23: {  	s9 =	sor.u32 $0xD0000000, s2;
	s6 =	simm.s32 $0x108;
	_ =	swait.ge @!p0 [sflag:s8], $0x0  }
0x24: {  	s3 =	sadd.s32 $0x88, s3;
	s6 =	simm.s32 @!p1 $0x1082;
	[sflag:s4] =	ssyncset.s32 $0xFFFFF086  }
0x25: {  	[simem:s6], [sflag:s4] =	dma.local [hbm:s3], $0xF7A  }
0x26: {  	[smem:$0x3FA0] =	sst s1;
	(tag) =	ssettag s2;
	_ =	strace s9  }
0x27: {  	s1 =	sld [smem:$0x3FB0]  }
0x28: {  	s2 =	sld [smem:$0x3FB1]  }
0x29: {  	s4 =	sld [smem:$0x3FB3]  }
0x2a: {  	p0 =	seq.s32 s5, $0x0;
	s5 =	sld [smem:$0x3FB4]  }
0x2b: {  	s6 =	sld [smem:$0x3FB5]  }
0x2c: {  	s7 =	sld [smem:$0x3FB6]  }
0x2d: {  	s3 =	simm.s32 $0x108;
	s8 =	sld [smem:$0x3FB7]  }
0x2e: {  	s3 =	simm.s32 @!p0 $0x1082;
	s9 =	sld [smem:$0x3FB8]  }
0x2f: {  	lr =	sadd.s32 s0, s3;
	s0 =	sld [smem:$0x3FAF]  }
0x30: {  	s3 =	sld [smem:$0x3FB2]  }
0x31: {  	[smem:$0x3FBB] =	sst s10  }
0x32: {  	s10 =	sld [smem:$0x3FB9];
	_ =	sdelay $0x3  }
0x33: {  	p0 =	seq.s32 s10, $0x1;
	s10 =	sld [smem:$0x3FBB];
	_ =	sdelay $0x3  }
0x34: {  	[smem:$0x3FBB] =	sst s10  }
0x35: {  	s10 =	sld [smem:$0x3FBA];
	_ =	sdelay $0x3  }
0x36: {  	p1 =	seq.s32 s10, $0x1;
	s10 =	sld [smem:$0x3FBB];
	_ =	sdelay $0x3  }
0x37: {  	[smem:$0x3FBB] =	sst s10  }
0x38: {  	s10 =	sld [smem:$0x3FBC]  }
0x39: {  	_ = 	snop;
	(pc) =	sbr.ind lr, $3  }
0x3a: {  	_ = 	snop  }
0x3b: {  	_ = 	snop  }
0x3c: {  	p2 =	seq.s32 s10, $0x1;
	s10 =	sld [smem:$0x3FBB]  }
0x3d: {  	_ =	shalt  }
0x3e: {  	_ =	shalt  }
0x3f: {  	_ =	shalt  }
0x40: {  	_ =	shalt  }
0x41: {  	_ =	shalt  }
0x42: {  	_ =	shalt  }
0x43: {  	_ =	shalt  }
0x44: {  	_ =	shalt  }
0x45: {  	_ =	shalt  }
0x46: {  	_ =	shalt  }
0x47: {  	_ =	shalt  }
0x48: {  	_ =	shalt  }
0x49: {  	_ =	shalt  }
0x4a: {  	_ =	shalt  }
0x4b: {  	_ =	shalt  }
0x4c: {  	_ =	shalt  }
0x4d: {  	_ =	shalt  }
0x4e: {  	_ =	shalt  }
0x4f: {  	_ =	shalt  }
0x50: {  	_ =	shalt  }
0x51: {  	_ =	shalt  }
0x52: {  	_ =	shalt  }
0x53: {  	_ =	shalt  }
0x54: {  	_ =	shalt  }
0x55: {  	_ =	shalt  }
0x56: {  	_ =	shalt  }
0x57: {  	_ =	shalt  }
0x58: {  	_ =	shalt  }
0x59: {  	_ =	shalt  }
0x5a: {  	_ =	shalt  }
0x5b: {  	_ =	shalt  }
0x5c: {  	_ =	shalt  }
0x5d: {  	_ =	shalt  }
0x5e: {  	_ =	shalt  }
0x5f: {  	_ =	shalt  }
0x60: {  	_ =	shalt  }
0x61: {  	_ =	shalt  }
0x62: {  	_ =	shalt  }
0x63: {  	_ =	shalt  }
0x64: {  	_ =	shalt  }
0x65: {  	_ =	shalt  }
0x66: {  	_ =	shalt  }
0x67: {  	_ =	shalt  }
0x68: {  	_ =	shalt  }
0x69: {  	_ =	shalt  }
0x6a: {  	_ =	shalt  }
0x6b: {  	_ =	shalt  }
0x6c: {  	_ =	shalt  }
0x6d: {  	_ =	shalt  }
0x6e: {  	_ =	shalt  }
0x6f: {  	_ =	shalt  }
0x70: {  	_ =	shalt  }
0x71: {  	_ =	shalt  }
0x72: {  	_ =	shalt  }
0x73: {  	_ =	shalt  }
0x74: {  	_ =	shalt  }
0x75: {  	_ =	shalt  }
0x76: {  	_ =	shalt  }
0x77: {  	_ =	shalt  }
0x78: {  	_ =	shalt  }
0x79: {  	_ =	shalt  }
0x7a: {  	_ =	shalt  }
0x7b: {  	_ =	shalt  }
0x7c: {  	_ =	shalt  }
0x7d: {  	_ =	shalt  }
0x7e: {  	_ =	shalt  }
0x7f: {  	_ =	shalt  }
0x80: {  	_ =	shalt  }
0x81: {  	_ =	shalt  }
0x82: {  	_ =	shalt  }
0x83: {  	_ =	shalt  }
0x84: {  	_ =	shalt  }
0x85: {  	_ =	shalt  }
0x86: {  	_ =	shalt  }
0x87: {  	_ =	shalt  }
.Lfunc_end0:
.L_simem_size_0:
called_computation_lowered:
.L_overlay_start_0:
0x88: {  	s2 =	sld [smem:$0x3FD9]  }
0x89: {  	s3 =	sld [smem:$0x3FFE];
	_ =	sdelay $0x1  }
0x8a: {  	s1 =	srdreg.scid  }
0x8b: {  	s0 =	sand.u32 $0x1, s1  }
0x8c: {  	s17 =	sshll.u32 s0, $0xA;
	s2 =	sadd.s32 s3, s2  }
0x8d: {  	s2 =	sadd.s32 s2, s17  }
0x8e: {  	[smem:$0x3FC7] =	sst s2  }
0x8f: {  	_ = 	snop  }
0x90: {  	s2 =	sld [smem:$0x3FC9];
	(tm) =	ssettm $0x1  }
0x91: {  	s18 =	sld [smem:$0x3FFB];
	_ =	sdelay $0x3  }
0x92: {  	_ =	strace s18  }
0x93: {  	s3 =	sld [smem:$0x3FFC];
	_ =	sdelay $0x3  }
0x94: {  	_ =	strace s3  }
0x95: {  	s3 =	sld [smem:$0x3FFD];
	_ =	sdelay $0x3  }
0x96: {  	_ =	strace s3  }
0x97: {  	_ =	strace $0x8FFFFFFF  }
0x98: {  	s19 =	sld [smem:$0x3FDB];
	_ =	sdelay $0x1  }
0x99: {  	s4 =	simm.s32 $_scs_section_size  }
0x9a: {  	s5 =	simm.s32 $_size__tile_overlayer_lowered;
	s6 =	simm.s32 $_tile_overlayer_lowered  }
0x9b: {  	s22 =	simm.s32 $0x1BFF;
	s21 =	sshll.u32 s6, $0x1;
	s3 =	sadd.s32 s4, s19  }
0x9c: {  	s7 =	simm.s32 $0x0;
	s20 =	sshll.u32 s5, $0x1;
	s5 =	sadd.s32 s21, s3  }
0x9d: {  	[timem:s7], [sflag:s22] =	dma.local [hbm:s5], s20  }
0x9e: {  	_ =	swait.ge [sflag:s22], s20  }
0x9f: {  	s4 =	ssub.s32 $0x0, s20;
	[sflag:s22] =	ssyncset.done $0x0  }
0xa0: {  	[sflag:s22] =	ssyncadd.s32 s4;
	_ =	sdelay $0x1  }
0xa1: {  	s23 =	simm.s32 $0x1B8B  }
0xa2: {  	_ =	swait.ge [sflag:s23], $0x1  }
0xa3: {  	[sflag:s23] =	ssyncset.done $0x0  }
0xa4: {  	s25 =	simm.s32 $0x1B8E;
	s24 =	sld [smem:$0x3FFE];
	[sflag:s23] =	ssyncadd.s32 $0xFFFFFFFF  }
0xa5: {  	s26 =	simm.s32 $execute0_lowered;
	[smem:$0x3FD2] =	sst s25  }
0xa6: {  	s5 =	sshll.u32 s26, $0x1;
	_ =	strace $0x80000046;
	[dreg:$0x1] =	wrdreg $0xFFFFFFFF  }
0xa7: {  	s28 =	simm.s32 $_size_execute0_lowered;
	s3 =	sadd.s32 s3, s5;
	[dreg:$0x0] =	wrdreg $0x0  }
0xa8: {  	s5 =	sshll.u32 s28, $0x1;
	[dreg:$0x2] =	wrdreg s3  }
0xa9: {  	[dreg:$0x3] =	wrdreg s5  }
0xaa: {  	[dreg:$0x4] =	wrdreg $0xC0  }
0xab: {  	_ =	task [dreg:s7], $0x5FFFF  }
0xac: {  	[dreg:$0x1] =	wrdreg $0xFFFFFFFF  }
0xad: {  	[dreg:$0x0] =	wrdreg $0x60  }
0xae: {  	[dreg:$0x2] =	wrdreg s2  }
0xaf: {  	[dreg:$0x3] =	wrdreg s24  }
0xb0: {  	[dreg:$0x4] =	wrdreg $0x9  }
0xb1: {  	_ =	task.clear_ibuf [dreg:s7], $0x5FFFF;
	_ =	strace $0x90000046  }
0xb2: {  	s29 =	simm.s32 $0x9;
	_ =	strace $0x80000048  }
0xb3: {  	_ =	swait.ge [sflag:s29], $0x1  }
0xb4: {  	[sflag:s29] =	ssyncadd.s32 $0xFFFFFFFF  }
0xb5: {  	_ =	strace $0x90000048  }
0xb6: {  	_ =	sfence  }
0xb7: {  	s30 =	sld [smem:$0x0];
	_ =	sdelay $0x2  }
0xb8: {  	s31 =	sshll.u32 s1, $0xD;
	s1 =	sshrl.u32 s1, $0x2  }
0xb9: {  	s3 =	sand.u32 $0x4000, s31;
	s1 =	sadd.s32 s1, s30  }
0xba: {  	s0 =	sor.u32 s3, s0;
	s1 =	sshll.u32 s1, $0x11  }
0xbb: {  	s0 =	sor.u32 s1, s0  }
0xbc: {  	s0 =	sadd.s32 $0x8F2B, s0  }
0xbd: {  	[sflag:s0] =	ssyncadd.remote.s32 $0x1  }
0xbe: {  	_ =	sfence.sel $0xFFFF  }
0xbf: {  	[dreg:$0x0] =	wrdreg $0xFFFFFFFF;
	(pc) =	sbr.abs _section_cstart, $3  }
0xc0: {  	[dreg:$0x1] =	wrdreg $0xFFFFFFFF  }
0xc1: {  	_ =	task.clear_ibuf [dreg:s7], $0x2FFFF;
	_ =	strace $0x9FFFFFFF  }
0xc2: {  	(tm) =	ssettm $0x7FFFFFFF  }
0xc3: {  	_ =	shalt  }
tec
execute0_lowered:
.L_overlay_start_1:
0x0: {  	(tag) =	ssettag $0x1  }
0x1: {  	s3 =	rddreg [dreg:$0x0]  }
0x2: {  	s4 =	rddreg [dreg:$0x1]  }
0x3: {  	s1 =	srdreg.scid;
	s0 =	rddreg [dreg:$0x2];
	v0 =	vimm.s32 $0xFEDCBA98;
	s2 =	simm.s32 $0x0;
	v1 =	vimm.s32 $0x76543210  }
0x4: {  	v2 =	vimm.s32 $0xBA98FEDC;
	s11 =	simm.s32 $0x2000;
	s12 =	simm.s32 $0x4000;
	s13 =	simm.s32 $0x6000  }
0x5: {  	v3 =	vimm.s32 $0x32107654;
	v4 =	vimm.s32 $0xDCFE98BA;
	s14 =	simm.s32 $0x1;
	s15 =	simm.s32 $0x8000;
	s5 =	sand.u32 $0x1, s1  }
0x6: {  	v5 =	vimm.s32 $0x54761032;
	v6 =	vimm.s32 $0xEFCDAB89;
	v7 =	vimm.s32 $0x67452301;
	s16 =	simm.s32 $0x2;
	s1 =	stileid.u32;
	s6 =	sshll.u32 s5, $0x4  }
0x7: {  	s17 =	simm.s32 $0x0;
	v0 =	vunpack.c.l.s4.s8 v0;
	[smem:$0x7FF] =	sst s2;
	v1 =	vunpack.c.l.s4.s8 v1;
	v2 =	vunpack.c.l.s4.s8 v2;
	s6 =	sor.u32 s1, s6  }
0x8: {  	v3 =	vunpack.c.l.s4.s8 v3;
	v4 =	vunpack.c.l.s4.s8 v4;
	v5 =	vunpack.c.l.s4.s8 v5;
	s7 =	sshll.u32 s1, $0x7;
	s8 =	sshll.u32 s6, $0xF;
	s6 =	sshll.u32 s6, $0x7  }
0x9: {  	v6 =	vunpack.c.l.s4.s8 v6;
	v7 =	vunpack.c.l.s4.s8 v7;
	v0 =	vunpack.c.0.s8.s32 v0;
	s8 =	sor.u32 s7, s8;
	s7 =	sand.u32 $0x380, s7;
	s6 =	sand.u32 $0xC00, s6  }
0xa: {  	_ =	strace $0x80000047;
	s5 =	ssub.s32 $0x2, s5;
	v2 =	vunpack.c.0.s8.s32 v2;
	v3 =	vunpack.c.0.s8.s32 v3;
	v4 =	vunpack.c.0.s8.s32 v4;
	s6 =	sor.u32 s7, s6  }
0xb: {  	s30 =	sshrl.u32 s5, $0x1;
	v5 =	vunpack.c.0.s8.s32 v5;
	v6 =	vunpack.c.0.s8.s32 v6;
	v7 =	vunpack.c.0.s8.s32 v7;
	s8 =	sand.u32 $0xC0380, s8;
	s6 =	sshrl.u32 s6, $0x3  }
0xc: {  	v1 =	vunpack.c.0.s8.s32 v1;
	s10 =	ssub.s32 s5, s30;
	v2 =	vcombine.low v3, v2;
	s8 =	sshrl.u32 s8, $0x3;
	s9 =	sadd.s32 s6, s4  }
0xd: {  	v3 =	vcombine.low v5, v4;
	v4 =	vand.u32 $0xF, v0;
	v5 =	vcombine.low v7, v6;
	s31 =	sadd.s32 s8, s3;
	s8 =	smax.u32 s10, $0x1;
	s10 =	simm.s32 $0x400  }
0xe: {  	v0 =	vlaneseq.u32;
	v1 =	vcombine.low v4, v1;
	s3 =	sadd.s32 $0x60000, s31;
	s4 =	sadd.s32 $0x62000, s31;
	s5 =	sadd.s32 $0x64000, s31  }
0xf: {  	v2 =	vand.u32 $0xF, v2;
	v3 =	vand.u32 $0xF, v3;
	v4 =	vand.u32 $0xF, v5;
	s6 =	sadd.s32 $0x66000, s31;
	s7 =	sadd.s32 $0x600, s9;
	s9 =	simm.s32 $0x80  }
.LBB2_1:
0x10: {  	[tilespmem:s2], [sflag:$0x1] =	stream.strided.gather [hbm4b:s3+s9], $0x2000, s10, s9, $0x38;
	[tilespmem:$0x8080] =	vst v63  }
0x11: {  	_ = 	snop  }
0x12: {  	[tilespmem:s11], [sflag:$0x1] =	stream.strided.gather [hbm4b:s4+s9], $0x2000, s10, s9, $0x38;
	[tilespmem:$0x8080] =	vst v63  }
0x13: {  	_ = 	snop  }
0x14: {  	[tilespmem:s12], [sflag:$0x1] =	stream.strided.gather [hbm4b:s5+s9], $0x2000, s10, s9, $0x38;
	[tilespmem:$0x8080] =	vst v63  }
0x15: {  	_ = 	snop  }
0x16: {  	[tilespmem:s13], [sflag:$0x1] =	stream.strided.gather [hbm4b:s6+s9], $0x2000, s10, s9, $0x38;
	[tilespmem:$0x8080] =	vst v63  }
0x17: {  	_ =	swait.ge [sflag:s14], $0x2000  }
0x18: {  	[sflag:s14] =	ssyncset.done $0x0  }
0x19: {  	s18 =	simm.s32 $0x40;
	[sflag:s14] =	ssyncadd.s32 $0xFFFFE000  }
0x1a: {  	v5 =	vld [tilespmem:s18+$0xFFFFFFF0]  }
0x1b: {  	v9 =	vimm.f32 $-Inf;
	v10 =	vimm.s32 $0x0;
	v21 =	vimm.f32 $-Inf;
	v6 =	vld [tilespmem:s18+$0xFFFFFFC0]  }
0x1c: {  	v12 =	vimm.f32 $-Inf;
	v20 =	vimm.f32 $-Inf;
	v15 =	vimm.s32 $0x0;
	v26 =	vld [tilespmem:s18+$0x30]  }
0x1d: {  	v11 =	vimm.f32 $-Inf;
	v16 =	vimm.s32 $0x0;
	v17 =	vimm.f32 $-Inf;
	v25 =	vld [tilespmem:s18+$0x10]  }
0x1e: {  	v19 =	vimm.s32 $0x0;
	v22 =	vimm.f32 $-Inf;
	v13 =	vimm.s32 $0x0;
	v28 =	vld [tilespmem:s18+$0xFFFFFFE0]  }
0x1f: {  	v18 =	vimm.f32 $-Inf;
	v23 =	vimm.s32 $0x0;
	v24 =	vimm.s32 $0x0;
	v27 =	vld [tilespmem:s18+$0x20]  }
0x20: {  	v29 =	vld [tilespmem:s18+$0xFFFFFFD0];
	vm0 =	vgt.f32 v5, v9;
	v7 =	vmax.f32 v9, v5;
	vm1 =	vgt.f32 v6, v9  }
0x21: {  	s19 =	simm.s32 $0x1;
	s20 =	simm.s32 $0xC0;
	v14 =	vld [tilespmem:s18+$0x0];
	s18 =	simm.s32 $0x0;
	v6 =	vmax.f32 v9, v6;
	v5 =	vmax.f32 v9, v26;
	v8 =	vsel vm1, s2, v10  }
.LBB2_2:
0x22: {  	v30 =	vld [tilespmem:s20+$0xFFFFFFF0];
	p0 =	sne.s32 s19, $0x3F;
	v10 =	vsel vm0, s18, v10;
	v9 =	vmax.f32 v9, v25;
	vm0 =	vgt.f32 v26, v21;
	v21 =	vmovc v5;
	s21 =	smov.u32 s19;
	s19 =	sadd.s32 $0x1, s19  }
0x23: {  	vm2 =	vgt.f32 v25, v20;
	v31 =	vld [tilespmem:s20+$0xFFFFFFC0];
	vm1 =	vgt.f32 v28, v12;
	v12 =	vmax.f32 v12, v28;
	v20 =	vmovc v9  }
0x24: {  	v15 =	vsel vm2, s18, v15;
	v16 =	vsel vm0, s18, v16;
	v26 =	vld [tilespmem:s20+$0x30];
	vm2 =	vgt.f32 v27, v11  }
.Ltmp0:
0x25: {  	v11 =	vmax.f32 v11, v27;
	v25 =	vld [tilespmem:s20+$0x10];
	v17 =	vmax.f32 v17, v29;
	v19 =	vsel vm2, s18, v19;
	(pc) =	sbr.rel @p0 .LBB2_2-.Ltmp0, $4  }
0x26: {  	v13 =	vsel vm1, s18, v13;
	vm2 =	vgt.f32 v29, v22;
	v28 =	vld [tilespmem:s20+$0xFFFFFFE0];
	vm1 =	vgt.f32 v14, v18;
	v22 =	vmovc v17  }
0x27: {  	vm0 =	vgt.f32 v30, v7;
	v7 =	vmax.f32 v7, v30;
	v27 =	vld [tilespmem:s20+$0x20];
	v23 =	vsel vm1, s18, v23  }
0x28: {  	v24 =	vsel vm2, s18, v24;
	s18 =	smov.u32 s21;
	vm1 =	vgt.f32 v31, v6;
	v6 =	vmax.f32 v6, v31;
	v29 =	vld [tilespmem:s20+$0xFFFFFFD0]  }
0x29: {  	v18 =	vmax.f32 v18, v14;
	v8 =	vsel vm1, s18, v8;
	v5 =	vmax.f32 v5, v26;
	v14 =	vld [tilespmem:s20+$0x0];
	s20 =	sadd.s32 $0x80, s20  }
0x2a: {  	_ =	swait.ge [sflag:s14], $0x2000  }
0x2b: {  	[sflag:s14] =	ssyncset.done $0x0  }
0x2c: {  	s20 =	simm.s32 $0x2070;
	[sflag:s14] =	ssyncadd.s32 $0xFFFFE000  }
0x2d: {  	v10 =	vsel vm0, s18, v10;
	v9 =	vmax.f32 v9, v25;
	vm0 =	vgt.f32 v26, v21;
	v31 =	vld [tilespmem:s20+$0xFFFFFFC0]  }
0x2e: {  	vm2 =	vgt.f32 v25, v20;
	vm1 =	vgt.f32 v28, v12;
	v12 =	vmax.f32 v12, v28;
	v25 =	vld [tilespmem:s20+$0xFFFFFF90]  }
0x2f: {  	v20 =	vsel vm2, s18, v15;
	v16 =	vsel vm0, s18, v16;
	vm2 =	vgt.f32 v27, v11;
	v28 =	vld [tilespmem:s20+$0x0]  }
0x30: {  	v15 =	vmax.f32 v11, v27;
	v13 =	vsel vm1, s18, v13;
	v21 =	vmax.f32 v17, v29;
	v11 =	vld [tilespmem:s20+$0xFFFFFFE0]  }
0x31: {  	v17 =	vsel vm2, s18, v19;
	vm0 =	vgt.f32 v29, v22;
	v30 =	vld [tilespmem:s20+$0xFFFFFFB0];
	vm1 =	vgt.f32 v14, v18  }
0x32: {  	v26 =	vld [tilespmem:s20+$0xFFFFFFF0];
	v19 =	vsel vm0, s18, v24;
	v18 =	vmax.f32 v18, v14;
	v22 =	vsel vm1, s18, v23  }
0x33: {  	v29 =	vld [tilespmem:s20+$0xFFFFFFA0];
	s18 =	simm.s32 $0x40;
	vm0 =	vgt.f32 v31, v7;
	v7 =	vmax.f32 v7, v31;
	vm1 =	vgt.f32 v25, v6  }
0x34: {  	s19 =	simm.s32 $0x41;
	v27 =	vmovc v21;
	v23 =	vmax.f32 v6, v25;
	v25 =	vld [tilespmem:s20+$0xFFFFFFD0];
	v6 =	vmax.f32 v5, v28;
	s20 =	simm.s32 $0x20F0;
	v14 =	vsel vm1, s18, v8;
	v8 =	vmovc v9  }
.LBB2_4:
0x35: {  	v24 =	vld [tilespmem:s20+$0xFFFFFFC0];
	p0 =	sne.s32 s19, $0x7F;
	v10 =	vsel vm0, s18, v10;
	v9 =	vmax.f32 v9, v11;
	vm0 =	vgt.f32 v28, v5;
	v5 =	vmovc v6;
	s21 =	smov.u32 s19;
	s19 =	sadd.s32 $0x1, s19  }
0x36: {  	vm2 =	vgt.f32 v11, v8;
	v31 =	vld [tilespmem:s20+$0xFFFFFF90];
	vm1 =	vgt.f32 v30, v12;
	v12 =	vmax.f32 v12, v30;
	v8 =	vmovc v9  }
0x37: {  	v20 =	vsel vm2, s18, v20;
	v16 =	vsel vm0, s18, v16;
	v28 =	vld [tilespmem:s20+$0x0];
	vm2 =	vgt.f32 v26, v15  }
.Ltmp1:
0x38: {  	v15 =	vmax.f32 v15, v26;
	v11 =	vld [tilespmem:s20+$0xFFFFFFE0];
	v21 =	vmax.f32 v21, v29;
	v17 =	vsel vm2, s18, v17;
	(pc) =	sbr.rel @p0 .LBB2_4-.Ltmp1, $4  }
0x39: {  	v13 =	vsel vm1, s18, v13;
	vm2 =	vgt.f32 v29, v27;
	v30 =	vld [tilespmem:s20+$0xFFFFFFB0];
	vm1 =	vgt.f32 v25, v18;
	v27 =	vmovc v21  }
0x3a: {  	vm0 =	vgt.f32 v24, v7;
	v7 =	vmax.f32 v7, v24;
	v26 =	vld [tilespmem:s20+$0xFFFFFFF0];
	v22 =	vsel vm1, s18, v22  }
0x3b: {  	v19 =	vsel vm2, s18, v19;
	s18 =	smov.u32 s21;
	vm1 =	vgt.f32 v31, v23;
	v23 =	vmax.f32 v23, v31;
	v29 =	vld [tilespmem:s20+$0xFFFFFFA0]  }
0x3c: {  	v18 =	vmax.f32 v18, v25;
	v14 =	vsel vm1, s18, v14;
	v6 =	vmax.f32 v6, v28;
	v25 =	vld [tilespmem:s20+$0xFFFFFFD0];
	s20 =	sadd.s32 $0x80, s20  }
0x3d: {  	_ =	swait.ge [sflag:s14], $0x2000  }
0x3e: {  	[sflag:s14] =	ssyncset.done $0x0  }
0x3f: {  	s21 =	simm.s32 $0x0;
	[sflag:s14] =	ssyncadd.s32 $0xFFFFE000  }
0x40: {  	v9 =	vmax.f32 v9, v11;
	vm1 =	vgt.f32 v11, v8;
	v11 =	vld [tilespmem:s21+$0x4070]  }
0x41: {  	v10 =	vsel vm0, s18, v10;
	vm0 =	vgt.f32 v28, v5;
	v62 =	vld [tilespmem:s21+$0x4000]  }
0x42: {  	vm2 =	vgt.f32 v30, v12;
	v24 =	vmax.f32 v12, v30;
	v5 =	vsel vm1, s18, v20;
	v31 =	vld [tilespmem:s21+$0x4010]  }
0x43: {  	v16 =	vsel vm0, s18, v16;
	vm1 =	vgt.f32 v26, v15;
	v12 =	vmax.f32 v15, v26  }
0x44: {  	v20 =	vsel vm2, s18, v13;
	v63 =	vmax.f32 v21, v29;
	v21 =	vld [tilespmem:s21+$0x4020];
	vm0 =	vgt.f32 v25, v18  }
0x45: {  	v8 =	vsel vm1, s18, v17;
	vm1 =	vgt.f32 v29, v27;
	v13 =	vsel vm0, s18, v22;
	v22 =	vld [tilespmem:s21+$0x4030]  }
0x46: {  	v19 =	vsel vm1, s18, v19;
	v18 =	vmax.f32 v18, v25;
	v25 =	vld [tilespmem:s21+$0x4040];
	vm0 =	vgt.f32 v11, v6  }
0x47: {  	s18 =	simm.s32 $0x80;
	vm1 =	vgt.f32 v62, v23;
	v15 =	vmax.f32 v23, v62;
	v23 =	vld [tilespmem:s21+$0x4050];
	v17 =	vmax.f32 v63, v31  }
0x48: {  	s19 =	simm.s32 $0x80;
	s20 =	simm.s32 $0x400;
	v26 =	vld [tilespmem:s21+$0x4060];
	v16 =	vsel vm0, s18, v16;
	v14 =	vsel vm1, s18, v14;
	vm0 =	vgt.f32 v31, v63  }
.LBB2_6:
0x49: {  	p0 =	sne.s32 s20, $0x7E00;
	v27 =	vld [tilespmem:s19+$0x4070];
	v19 =	vsel vm0, s18, v19;
	vm0 =	vgt.f32 v21, v24;
	v24 =	vmax.f32 v24, v21  }
0x4a: {  	v28 =	vld [tilespmem:s19+$0x4000];
	v20 =	vsel vm0, s18, v20;
	vm0 =	vgt.f32 v22, v7;
	v7 =	vmax.f32 v7, v22  }
0x4b: {  	v29 =	vld [tilespmem:s19+$0x4010];
	v10 =	vsel vm0, s18, v10;
	vm0 =	vgt.f32 v25, v18;
	v18 =	vmax.f32 v18, v25  }
.Ltmp2:
0x4c: {  	v21 =	vld [tilespmem:s19+$0x4020];
	v13 =	vsel vm0, s18, v13;
	vm0 =	vgt.f32 v23, v9;
	v9 =	vmax.f32 v9, v23;
	(pc) =	sbr.rel @p0 .LBB2_6-.Ltmp2, $4  }
0x4d: {  	v6 =	vmax.f32 v6, v11;
	v22 =	vld [tilespmem:s19+$0x4030];
	vm1 =	vgt.f32 v26, v12;
	v12 =	vmax.f32 v12, v26  }
0x4e: {  	v5 =	vsel vm0, s18, v5;
	v25 =	vld [tilespmem:s19+$0x4040];
	vm2 =	vgt.f32 v27, v6;
	v8 =	vsel vm1, s18, v8;
	s18 =	sadd.s32 $0x1, s18;
	v11 =	vmovc v27  }
0x4f: {  	vm0 =	vgt.f32 v28, v15;
	v15 =	vmax.f32 v15, v28;
	v23 =	vld [tilespmem:s19+$0x4050];
	v16 =	vsel vm2, s18, v16  }
0x50: {  	v14 =	vsel vm0, s18, v14;
	vm0 =	vgt.f32 v29, v17;
	v17 =	vmax.f32 v17, v29;
	v26 =	vld [tilespmem:s19+$0x4060];
	s19 =	sshra.s32 s20, $0x2;
	s20 =	sadd.s32 $0x200, s20  }
0x51: {  	v27 =	vld [tilespmem:s19+$0x4070]  }
0x52: {  	v28 =	vld [tilespmem:s19+$0x4000]  }
0x53: {  	v29 =	vld [tilespmem:s19+$0x4010];
	v19 =	vsel vm0, s18, v19;
	vm0 =	vgt.f32 v21, v24;
	v21 =	vmax.f32 v24, v21  }
0x54: {  	v24 =	vld [tilespmem:s19+$0x4020];
	v33 =	vmax.f32 v6, v11;
	v20 =	vsel vm0, s18, v20;
	vm0 =	vgt.f32 v22, v7  }
0x55: {  	v31 =	vld [tilespmem:s19+$0x4050];
	v7 =	vmax.f32 v7, v22;
	v30 =	vsel vm0, s18, v10;
	vm0 =	vgt.f32 v25, v18  }
0x56: {  	v22 =	vld [tilespmem:s19+$0x4030];
	v18 =	vmax.f32 v18, v25;
	vm1 =	vgt.f32 v23, v9;
	v23 =	vmax.f32 v9, v23  }
0x57: {  	v6 =	vld [tilespmem:s19+$0x4060];
	v32 =	vsel vm0, s18, v13;
	vm2 =	vgt.f32 v26, v12;
	v26 =	vmax.f32 v12, v26  }
0x58: {  	v25 =	vld [tilespmem:s19+$0x4040];
	_ =	swait.ge [sflag:s14], $0x2000;
	v34 =	vsel vm1, s18, v5;
	vm0 =	vgt.f32 v27, v33;
	vm1 =	vgt.f32 v28, v15  }
0x59: {  	s31 =	sadd.s32 $0x1, s18;
	[sflag:s14] =	ssyncset.done $0x0;
	v28 =	vmax.f32 v15, v28;
	v8 =	vsel vm2, s18, v8;
	v10 =	vmax.f32 v21, v24  }
0x5a: {  	s21 =	simm.s32 $0x0;
	[sflag:s14] =	ssyncadd.s32 $0xFFFFE000;
	v35 =	vsel vm0, s31, v16;
	v36 =	vsel vm1, s31, v14;
	vm0 =	vgt.f32 v29, v17  }
0x5b: {  	v5 =	vld [tilespmem:s21+$0x6070];
	v29 =	vmax.f32 v17, v29;
	v12 =	vmax.f32 v7, v22;
	v16 =	vmax.f32 v23, v31  }
0x5c: {  	vm1 =	vgt.f32 v6, v26;
	v9 =	vsel vm0, s31, v19;
	vm0 =	vgt.f32 v24, v21;
	v19 =	vld [tilespmem:s21+$0x6000]  }
0x5d: {  	v6 =	vmax.f32 v26, v6;
	v11 =	vsel vm0, s31, v20;
	vm0 =	vgt.f32 v22, v7;
	v20 =	vld [tilespmem:s21+$0x6010]  }
0x5e: {  	v17 =	vmax.f32 v33, v27;
	v22 =	vld [tilespmem:s21+$0x6020];
	v13 =	vsel vm0, s31, v30;
	vm0 =	vgt.f32 v25, v18  }
0x5f: {  	v14 =	vmax.f32 v18, v25;
	v15 =	vsel vm0, s31, v32;
	vm0 =	vgt.f32 v31, v23;
	v23 =	vld [tilespmem:s21+$0x6030]  }
0x60: {  	s18 =	simm.s32 $0xC0;
	v8 =	vsel vm1, s31, v8;
	v24 =	vld [tilespmem:s21+$0x6040];
	v7 =	vsel vm0, s31, v34;
	vm0 =	vgt.f32 v5, v17  }
0x61: {  	v25 =	vld [tilespmem:s21+$0x6050];
	vm1 =	vgt.f32 v19, v28;
	v18 =	vmax.f32 v28, v19;
	v19 =	vsel vm0, s18, v35  }
0x62: {  	s20 =	simm.s32 $0x400;
	s19 =	simm.s32 $0x80;
	v26 =	vld [tilespmem:s21+$0x6060];
	v21 =	vsel vm1, s18, v36;
	vm0 =	vgt.f32 v20, v29;
	v20 =	vmax.f32 v29, v20  }
.LBB2_8:
0x63: {  	p0 =	sne.s32 s20, $0x7E00;
	v27 =	vld [tilespmem:s19+$0x6070];
	v9 =	vsel vm0, s18, v9;
	vm0 =	vgt.f32 v22, v10;
	v10 =	vmax.f32 v10, v22  }
0x64: {  	v28 =	vld [tilespmem:s19+$0x6000];
	v11 =	vsel vm0, s18, v11;
	vm0 =	vgt.f32 v23, v12;
	v12 =	vmax.f32 v12, v23  }
0x65: {  	v29 =	vld [tilespmem:s19+$0x6010];
	v13 =	vsel vm0, s18, v13;
	vm0 =	vgt.f32 v24, v14;
	v14 =	vmax.f32 v14, v24  }
.Ltmp3:
0x66: {  	v22 =	vld [tilespmem:s19+$0x6020];
	v15 =	vsel vm0, s18, v15;
	vm0 =	vgt.f32 v25, v16;
	v16 =	vmax.f32 v16, v25;
	(pc) =	sbr.rel @p0 .LBB2_8-.Ltmp3, $4  }
0x67: {  	v17 =	vmax.f32 v17, v5;
	v23 =	vld [tilespmem:s19+$0x6030];
	vm1 =	vgt.f32 v26, v6;
	v6 =	vmax.f32 v6, v26  }
0x68: {  	v7 =	vsel vm0, s18, v7;
	v24 =	vld [tilespmem:s19+$0x6040];
	vm2 =	vgt.f32 v27, v17;
	v8 =	vsel vm1, s18, v8;
	s18 =	sadd.s32 $0x1, s18;
	v5 =	vmovc v27  }
0x69: {  	vm0 =	vgt.f32 v28, v18;
	v18 =	vmax.f32 v18, v28;
	v25 =	vld [tilespmem:s19+$0x6050];
	v19 =	vsel vm2, s18, v19  }
0x6a: {  	v21 =	vsel vm0, s18, v21;
	vm0 =	vgt.f32 v29, v20;
	v20 =	vmax.f32 v20, v29;
	v26 =	vld [tilespmem:s19+$0x6060];
	s19 =	sshra.s32 s20, $0x2;
	s20 =	sadd.s32 $0x200, s20  }
0x6b: {  	v27 =	vld [tilespmem:s19+$0x6070];
	v9 =	vsel vm0, s18, v9;
	vm6 =	vgt.f32 v22, v10  }
0x6c: {  	v40 =	vmax.f32 v10, v22;
	v41 =	vld [tilespmem:s19+$0x6000];
	v5 =	vmax.f32 v17, v5;
	v54 =	vor.u32 $0x10, v0  }
0x6d: {  	v43 =	vld [tilespmem:s19+$0x6010];
	v55 =	vor.u32 $0x20, v0;
	v56 =	vor.u32 $0x30, v0;
	v57 =	vor.u32 $0x40, v0  }
0x6e: {  	v45 =	vld [tilespmem:s19+$0x6020];
	v58 =	vor.u32 $0x50, v0;
	v59 =	vor.u32 $0x60, v0;
	v60 =	vor.u32 $0x70, v0  }
0x6f: {  	v47 =	vld [tilespmem:s19+$0x6030];
	v11 =	vsel vm6, s18, v11;
	vm7 =	vgt.f32 v23, v12;
	v42 =	vmax.f32 v12, v23  }
0x70: {  	v48 =	vld [tilespmem:s19+$0x6040];
	v13 =	vsel vm7, s18, v13;
	vm8 =	vgt.f32 v24, v14;
	v44 =	vmax.f32 v14, v24  }
0x71: {  	v50 =	vld [tilespmem:s19+$0x6050];
	v15 =	vsel vm8, s18, v15;
	vm9 =	vgt.f32 v25, v16;
	v46 =	vmax.f32 v16, v25  }
0x72: {  	v51 =	vld [tilespmem:s19+$0x6060];
	vm1 =	vgt.f32 v26, v6;
	v6 =	vmax.f32 v6, v26;
	v7 =	vsel vm9, s18, v7  }
0x73: {  	vm2 =	vgt.f32 v27, v5;
	v8 =	vsel vm1, s18, v8;
	vm10 =	vgt.f32 v41, v18  }
0x74: {  	v49 =	vmax.f32 v18, v41;
	vm11 =	vgt.f32 v43, v20;
	v52 =	vmax.f32 v20, v43  }
0x75: {  	vm12 =	vgt.f32 v45, v40;
	v10 =	vmax.f32 v40, v45;
	vm13 =	vgt.f32 v47, v42  }
0x76: {  	v12 =	vmax.f32 v42, v47;
	vm14 =	vgt.f32 v48, v44;
	v14 =	vmax.f32 v44, v48  }
0x77: {  	s31 =	sadd.s32 $0x1, s18;
	vm15 =	vgt.f32 v50, v46;
	v16 =	vmax.f32 v46, v50;
	vm4 =	vgt.f32 v51, v6  }
0x78: {  	v6 =	vmax.f32 v6, v51;
	v5 =	vmax.f32 v5, v27;
	v19 =	vsel vm2, s31, v19  }
0x79: {  	v21 =	vsel vm10, s31, v21;
	v9 =	vsel vm11, s31, v9;
	v11 =	vsel vm12, s31, v11  }
0x7a: {  	v13 =	vsel vm13, s31, v13;
	v15 =	vsel vm14, s31, v15;
	v7 =	vsel vm15, s31, v7  }
0x7b: {  	v8 =	vsel vm4, s31, v8;
	vm5 =	veq.f32 v52, v49;
	vm7 =	vgt.f32 v52, v49  }
0x7c: {  	vm8 =	vgt.f32 v12, v10;
	vm9 =	veq.f32 v12, v10;
	vm11 =	veq.f32 v16, v14  }
0x7d: {  	vm12 =	vgt.f32 v16, v14;
	vm13 =	veq.f32 v5, v6;
	vm15 =	vgt.f32 v5, v6  }
0x7e: {  	v53 =	vshll.u32 v21, $0x7;
	v9 =	vshll.u32 v9, $0x7;
	v11 =	vshll.u32 v11, $0x7  }
0x7f: {  	v13 =	vshll.u32 v13, $0x7;
	v15 =	vshll.u32 v15, $0x7;
	v7 =	vshll.u32 v7, $0x7  }
0x80: {  	v8 =	vshll.u32 v8, $0x7;
	v19 =	vshll.u32 v19, $0x7;
	v17 =	vor.u32 v0, v53  }
0x81: {  	v9 =	vor.u32 v54, v9;
	v11 =	vor.u32 v55, v11;
	v13 =	vor.u32 v56, v13  }
0x82: {  	v15 =	vor.u32 v57, v15;
	v7 =	vor.u32 v58, v7;
	v8 =	vor.u32 v59, v8  }
0x83: {  	v19 =	vor.u32 v60, v19;
	vm6 =	vlt.s32 v9, v17;
	vm10 =	vlt.s32 v13, v11  }
0x84: {  	vm3 =	vlt.s32 v7, v15;
	vm14 =	vlt.s32 v19, v8;
	vm0 =	vmand vm5, vm6  }
0x85: {  	vm1 =	vmand vm9, vm10;
	vm2 =	vmand vm11, vm3;
	vm0 =	vmor vm7, vm0  }
0x86: {  	v18 =	vsel vm0, v52, v49;
	v9 =	vsel vm0, v9, v17;
	vm0 =	vmor vm8, vm1  }
0x87: {  	vm1 =	vmor vm12, vm2;
	vm2 =	vmand vm13, vm14;
	v10 =	vsel vm0, v12, v10  }
0x88: {  	v11 =	vsel vm0, v13, v11;
	v61 =	vsel vm1, v16, v14;
	vm6 =	vmor vm15, vm2  }
0x89: {  	v7 =	vsel vm1, v7, v15;
	v5 =	vsel vm6, v5, v6;
	v6 =	vsel vm6, v19, v8  }
0x8a: {  	vm7 =	vgt.f32 v10, v18;
	vm8 =	veq.f32 v10, v18;
	vm9 =	vlt.s32 v11, v9  }
0x8b: {  	vm1 =	vmand vm8, vm9;
	vm10 =	veq.f32 v5, v61;
	vm11 =	vlt.s32 v6, v7  }
0x8c: {  	vm13 =	vgt.f32 v5, v61;
	vm0 =	vmor vm7, vm1;
	vm12 =	vmand vm10, vm11  }
0x8d: {  	v62 =	vsel vm0, v10, v18;
	vm1 =	vmor vm13, vm12  }
0x8e: {  	v9 =	vsel vm0, v11, v9;
	v5 =	vsel vm1, v5, v61;
	v6 =	vsel vm1, v6, v7  }
0x8f: {  	vm14 =	veq.f32 v5, v62;
	vm1 =	vlt.s32 v6, v9  }
0x90: {  	vm15 =	vgt.f32 v5, v62;
	vm0 =	vmand vm14, vm1  }
0x91: {  	vm0 =	vmor vm15, vm0  }
0x92: {  	v5 =	vsel vm0, v5, v62;
	v6 =	vsel vm0, v6, v9  }
0x93: {  	v7 =	vperm.xlane v5, v1;
	v63 =	vperm.xlane v6, v1;
	_ =	sdelay $0x1  }
0x94: {  	vm4 =	veq.f32 v7, v5;
	vm5 =	vlt.s32 v63, v6  }
0x95: {  	vm6 =	vgt.f32 v7, v5;
	vm0 =	vmand vm4, vm5  }
0x96: {  	vm0 =	vmor vm6, vm0  }
0x97: {  	v5 =	vsel vm0, v7, v5;
	v6 =	vsel vm0, v63, v6  }
0x98: {  	v7 =	vperm.xlane v5, v2;
	v8 =	vperm.xlane v6, v2;
	_ =	sdelay $0x1  }
0x99: {  	vm7 =	veq.f32 v7, v5;
	vm8 =	vlt.s32 v8, v6  }
0x9a: {  	vm9 =	vgt.f32 v7, v5;
	vm0 =	vmand vm7, vm8  }
0x9b: {  	vm0 =	vmor vm9, vm0  }
0x9c: {  	v5 =	vsel vm0, v7, v5;
	v6 =	vsel vm0, v8, v6  }
0x9d: {  	v7 =	vperm.xlane v5, v3;
	v8 =	vperm.xlane v6, v3;
	_ =	sdelay $0x1  }
0x9e: {  	vm10 =	veq.f32 v7, v5;
	vm11 =	vlt.s32 v8, v6  }
0x9f: {  	vm12 =	vgt.f32 v7, v5;
	vm0 =	vmand vm10, vm11  }
0xa0: {  	vm0 =	vmor vm12, vm0  }
0xa1: {  	v5 =	vsel vm0, v7, v5;
	v6 =	vsel vm0, v8, v6  }
0xa2: {  	v7 =	vperm.xlane v5, v4;
	v8 =	vperm.xlane v6, v4;
	_ =	sdelay $0x1  }
0xa3: {  	vm13 =	veq.f32 v7, v5;
	vm14 =	vlt.s32 v8, v6  }
0xa4: {  	vm15 =	vgt.f32 v7, v5;
	vm0 =	vmand vm13, vm14  }
0xa5: {  	s17 =	sadd.s32 $0x1, s17;
	vm0 =	vmor vm15, vm0  }
0xa6: {  	p0 =	sne.s32 s17, s8;
	v5 =	vsel vm0, v8, v6  }
.Ltmp4:
0xa7: {  	[tilespmem:$0x8000] =	vst v5;
	(pc) =	sbr.rel @p0 .LBB2_1-.Ltmp4, $4  }
0xa8: {  	[hbm4b:s7+s2] =	stream.linear.scatter [tilespmem:s15], [sflag:$0x2], $0x80, $0x38;
	[tilespmem:$0x8080] =	vst v63  }
0xa9: {  	_ =	swait.ge [sflag:s16], $0x80  }
0xaa: {  	[sflag:s16] =	ssyncset.done $0x0  }
0xab: {  	[sflag:s16] =	ssyncadd.s32 $0xFFFFFF80  }
0xac: {  	_ =	sfence.sel $0x180000  }
0xad: {  	[bflag:$0x0] =	sbarrier.arrive $0xFFFF  }
0xae: {  	p0 =	sne.s32 s1, $0x0;
	_ =	strace $0x90000047  }
0xaf: {  	s0 =	sadd.s32 @!p0 $0x100000, s0;
	[bflag:$0x2] =	sbarrier.arrive $0xFFFF  }
0xb0: {  	[sflag:s0] =	ssyncadd.tile.s32 @!p0 $0x1;
	_ =	shalt  }
.Lfunc_end2:
_tile_overlayer_lowered:
.L_overlay_start_2:
0xb1: {  	(tag) =	ssettag $0x2  }
0xb2: {  	s0 =	rddreg [dreg:$0x0];
	s2 =	stileid.u32  }
0xb3: {  	s1 =	rddreg [dreg:$0x1];
	p0 =	sne.s32 s2, $0x0  }
0xb4: {  	s3 =	rddreg [dreg:$0x2];
	[bflag:$0x3] =	sbarrier.arrive $0xFFFF;
	s2 =	simm.s32 @!p0 $0x1C02  }
0xb5: {  	[timem:s3], [sflag:s2] =	dma.local @!p0 [hbm:s0], s1  }
0xb6: {  	s0 =	simm.s32 @!p0 $0x2  }
0xb7: {  	_ =	swait.ge @!p0 [sflag:s0], s1  }
0xb8: {  	s1 =	ssub.s32 @!p0 $0x0, s1;
	[sflag:s0] =	ssyncset.done @!p0 $0x0  }
0xb9: {  	[sflag:s0] =	ssyncadd.s32 @!p0 s1  }
0xba: {  	[bflag:$0x3] =	sbarrier.arrive $0xFFFF  }
0xbb: {  	_ =	shalt  }

</sc_bundles>
